<compile_context>
chip_gen: v7x
topology: tpu7x:2x2x1
jax: 0.10.2.dev20260603
libtpu: 0.0.44.dev20260713+nightly
codegen_flags: <defaults>
</compile_context>

<pallas_src>
import functools
import math

import jax
import jax.numpy as jnp
from jax import lax
from jax.experimental import pallas as pl
from jax.experimental.pallas import tpu as pltpu
from jax.experimental.pallas import tpu_sc as plsc

_NC = 2
_NS = 16
_NW = _NC * _NS
_LANES = 16


def _make_embed(batch: int, seq: int, d: int):
    assert batch % (128 * _NW) == 0 and batch // 128 == _NW
    assert seq % 8 == 0 and d % _LANES == 0
    n_trows = seq // 8
    seq_pad = ((seq + _LANES - 1) // _LANES) * _LANES
    n_sg = seq_pad // _LANES
    scale = jnp.float32(math.sqrt(d))
    mesh = plsc.VectorSubcoreMesh(core_axis_name="c", subcore_axis_name="s")

    @functools.partial(
        pl.kernel,
        mesh=mesh,
        out_type=jax.ShapeDtypeStruct((batch * seq, d), jnp.float32),
        scratch_types=[
            pltpu.VMEM((n_trows, 1024), jnp.int32),
            pltpu.VMEM((128, seq_pad), jnp.int32),
            pltpu.VMEM((seq_pad, d), jnp.float32),
            pltpu.VMEM((seq_pad, d), jnp.float32),
            pltpu.SemaphoreType.DMA,
            pltpu.SemaphoreType.DMA,
        ],
        compiler_params=pltpu.CompilerParams(
            use_tc_tiling_on_sc=False, needs_layout_passes=False
        ),
    )
    def embed(idx_hbm, table_hbm, out_hbm, idx_all, idx_t, rows0, rows1,
              sem0, sem1):
        wid = lax.axis_index("s") * _NC + lax.axis_index("c")
        pltpu.sync_copy(idx_hbm.at[:, wid], idx_all)

        lanes = lax.iota(jnp.int32, 16)
        row_v = lanes >> 3
        col_v = (lanes & 7) * 128

        def build_b(b, carry):
            for sg in range(n_sg):
                r = jnp.minimum(row_v + 2 * sg, n_trows - 1)
                c = col_v + b
                g = plsc.load_gather(idx_all, [r, c])
                if (sg + 1) * _LANES > seq:
                    g = jnp.where(sg * _LANES + lanes < seq, g, 0)
                idx_t[b, pl.ds(sg * _LANES, _LANES)] = g
            return carry

        lax.fori_loop(0, 128, build_b, 0)

        def start_gather(b, rows_v, sem):
            pltpu.async_copy(table_hbm.at[idx_t.at[b]], rows_v, sem)

        def finish_b(b, rows_v, sem):
            pltpu.make_async_copy(table_hbm.at[idx_t.at[b]], rows_v, sem).wait()

            def row_body(r, carry2):
                for j in range(d // _LANES):
                    sl = pl.ds(j * _LANES, _LANES)
                    rows_v[r, sl] = rows_v[r, sl] * scale
                return carry2

            lax.fori_loop(0, seq_pad, row_body, 0, unroll=2)
            pltpu.sync_copy(
                rows_v.at[pl.ds(0, seq)],
                out_hbm.at[pl.ds((wid * 128 + b) * seq, seq)],
            )

        start_gather(0, rows0, sem0)

        def pair_body(p, carry):
            b = 2 * p
            start_gather(b + 1, rows1, sem1)
            finish_b(b, rows0, sem0)

            @pl.when(p + 1 < 64)
            def _():
                start_gather(b + 2, rows0, sem0)

            finish_b(b + 1, rows1, sem1)
            return carry

        lax.fori_loop(0, 64, pair_body, 0)

    return embed


def kernel(x, table):
    b, s = x.shape
    vocab, d = table.shape
    x4 = (
        x.T.reshape(s // 8, 8, b // 128, 128)
        .transpose(0, 2, 1, 3)
        .reshape(s // 8, b // 128, 1024)
    )
    rows = _make_embed(b, s, d)(x4, table)
    return rows.reshape(b, s, d)

# --- scband reference (transcript-rebuilt; emitter-appended) ---
"""Pipeline reference for scband-embeddings-12249246728904 (READ-ONLY COPY).

The authoritative reference and input builder live on the scoring server;
editing this copy changes nothing except your own understanding.
"""

import jax, jax.numpy as jnp
import numpy as np

VOCAB = 1000000
D_MODEL = 64
PAD_IDX = 0
BATCH = 4096
SEQ = 200


def setup_inputs(seed: int = 0) -> dict:
    key = jax.random.key(seed)
    k_idx, k_tab = jax.random.split(key)
    x = jax.random.randint(k_idx, (BATCH, SEQ), 0, VOCAB, dtype=jnp.int32)
    table = jax.random.normal(k_tab, (VOCAB, D_MODEL), dtype=jnp.float32)
    # padding_idx row is zero-initialized in torch nn.Embedding
    table = table.at[PAD_IDX].set(0.0)
    return {"x": x, "table": table}


def reference(x, table):
    # Embeddings.forward: self.embed(x) * sqrt(d_model)
    emb = jnp.take(table, x, axis=0)
    return emb * jnp.float32(np.sqrt(D_MODEL))

if __name__ == "__main__":
    import jax
    _d = setup_inputs()
    print(jax.jit(kernel)(*tuple(_d.values())))

</pallas_src>

<mosaic_0001>
#map = affine_map<(d0, d1) -> (0, 0, 0)>
#map1 = affine_map<(d0, d1) -> (0, 0)>
#map2 = affine_map<(d0, d1) -> (0)>
module attributes {stable_mosaic.version = 14 : i64} {
  func.func @_rewritten_body(%arg0: i32, %arg1: i32, %arg2: memref<25x32x1024xi32, #tpu.memory_space<hbm>>, %arg3: memref<1000000x64xf32, #tpu.memory_space<hbm>>, %arg4: memref<1xf32, #tpu.memory_space<hbm>>, %arg5: memref<819200x64xf32, #tpu.memory_space<hbm>>, %arg6: memref<25x1024xi32, #tpu.memory_space<vmem>>, %arg7: memref<128x208xi32, #tpu.memory_space<vmem>>, %arg8: memref<208x64xf32, #tpu.memory_space<vmem>>, %arg9: memref<208x64xf32, #tpu.memory_space<vmem>>, %arg10: memref<!tpu.dma_semaphore, #tpu.memory_space<semaphore_mem>>, %arg11: memref<!tpu.dma_semaphore, #tpu.memory_space<semaphore_mem>>) attributes {dimension_semantics = [#tpu.dimension_semantics<core_parallel>, #tpu.dimension_semantics<subcore_parallel>], iteration_bounds = array<i64: 2, 16>, scalar_prefetch = 0 : i64, scratch_operands = 6 : i64, tpu.core_type = #tpu.core_type<sc_vector_subcore>, window_params = [{transform_indices = #map}, {transform_indices = #map1}, {transform_indices = #map2}, {transform_indices = #map1}]} {
    %empty_ref3A = memref.alloca() : memref<16xf32, #tpu.memory_space<vmem>>
    "tpu.region"() ({
      %run_scoped3A = tpu.sem_alloc : memref<!tpu.dma_semaphore, #tpu.memory_space<semaphore_mem>>
      %dma_start3A_26 = arith.constant 0 : i32
      %dma_start3A_27 = tpu.memref_slice %empty_ref3A[%dma_start3A_26] : memref<16xf32, #tpu.memory_space<vmem>> -> memref<1xf32, #tpu.memory_space<vmem>>
      %dma_start3A_28 = arith.constant 0 : i32
      %dma_start3A_29 = tpu.memref_slice %empty_ref3A[%dma_start3A_28] : memref<16xf32, #tpu.memory_space<vmem>> -> memref<1xf32, #tpu.memory_space<vmem>>
      tpu.enqueue_dma source(%arg4 : memref<1xf32, #tpu.memory_space<hbm>>) target(%dma_start3A_29 : memref<1xf32, #tpu.memory_space<vmem>>) target_semaphore(%run_scoped3A : memref<!tpu.dma_semaphore, #tpu.memory_space<semaphore_mem>>)
      %dma_wait3A = arith.constant 0 : i32
      %dma_wait3A_30 = tpu.memref_slice %empty_ref3A[%dma_wait3A] : memref<16xf32, #tpu.memory_space<vmem>> -> memref<1xf32, #tpu.memory_space<vmem>>
      %dma_wait3A_31 = arith.constant 0 : i32
      %dma_wait3A_32 = tpu.memref_slice %empty_ref3A[%dma_wait3A_31] : memref<16xf32, #tpu.memory_space<vmem>> -> memref<1xf32, #tpu.memory_space<vmem>>
      tpu.wait_dma2 semaphore(%run_scoped3A : memref<!tpu.dma_semaphore, #tpu.memory_space<semaphore_mem>>) src(%arg4 : memref<1xf32, #tpu.memory_space<hbm>>) dst(%dma_wait3A_32 : memref<1xf32, #tpu.memory_space<vmem>>)
      tpu.yield
    }) : () -> ()
    %get3A = arith.constant 0 : index
    %get3A_0 = tpu.vector_load %empty_ref3A[%get3A] {strides = array<i32>} : memref<16xf32, #tpu.memory_space<vmem>>, vector<16xf32>,
    %slice3A = vector.extract_strided_slice %get3A_0 {offsets = [0], sizes = [1], strides = [1]} : vector<16xf32> to vector<1xf32>
    %squeeze3A = vector.extract %slice3A[0] : f32 from vector<1xf32>
    %mul3A = arith.constant 2 : i32
    %mul3A_1 = arith.muli %arg1, %mul3A : i32
    %add3A = arith.addi %mul3A_1, %arg0 : i32
    "tpu.region"() ({
      %run_scoped3A = tpu.sem_alloc : memref<!tpu.dma_semaphore, #tpu.memory_space<semaphore_mem>>
      %dma_start3A_26 = arith.constant 0 : i32
      %dma_start3A_27 = arith.constant 0 : i32
      %dma_start3A_28 = tpu.memref_slice %arg2[%dma_start3A_26, %add3A, %dma_start3A_27] : memref<25x32x1024xi32, #tpu.memory_space<hbm>> -> memref<25x1x1024xi32, #tpu.memory_space<hbm>>
      %dma_start3A_29 = tpu.memref_squeeze %dma_start3A_28 : memref<25x1x1024xi32, #tpu.memory_space<hbm>> -> memref<25x1024xi32, #tpu.memory_space<hbm>>
      %dma_start3A_30 = arith.constant 0 : i32
      %dma_start3A_31 = arith.constant 0 : i32
      %dma_start3A_32 = tpu.memref_slice %arg2[%dma_start3A_30, %add3A, %dma_start3A_31] : memref<25x32x1024xi32, #tpu.memory_space<hbm>> -> memref<25x1x1024xi32, #tpu.memory_space<hbm>>
      %dma_start3A_33 = tpu.memref_squeeze %dma_start3A_32 : memref<25x1x1024xi32, #tpu.memory_space<hbm>> -> memref<25x1024xi32, #tpu.memory_space<hbm>>
      tpu.enqueue_dma source(%dma_start3A_33 : memref<25x1024xi32, #tpu.memory_space<hbm>>) target(%arg6 : memref<25x1024xi32, #tpu.memory_space<vmem>>) target_semaphore(%run_scoped3A : memref<!tpu.dma_semaphore, #tpu.memory_space<semaphore_mem>>)
      %dma_wait3A = arith.constant 0 : i32
      %dma_wait3A_34 = arith.constant 0 : i32
      %dma_wait3A_35 = tpu.memref_slice %arg2[%dma_wait3A, %add3A, %dma_wait3A_34] : memref<25x32x1024xi32, #tpu.memory_space<hbm>> -> memref<25x1x1024xi32, #tpu.memory_space<hbm>>
      %dma_wait3A_36 = tpu.memref_squeeze %dma_wait3A_35 : memref<25x1x1024xi32, #tpu.memory_space<hbm>> -> memref<25x1024xi32, #tpu.memory_space<hbm>>
      %dma_wait3A_37 = arith.constant 0 : i32
      %dma_wait3A_38 = arith.constant 0 : i32
      %dma_wait3A_39 = tpu.memref_slice %arg2[%dma_wait3A_37, %add3A, %dma_wait3A_38] : memref<25x32x1024xi32, #tpu.memory_space<hbm>> -> memref<25x1x1024xi32, #tpu.memory_space<hbm>>
      %dma_wait3A_40 = tpu.memref_squeeze %dma_wait3A_39 : memref<25x1x1024xi32, #tpu.memory_space<hbm>> -> memref<25x1024xi32, #tpu.memory_space<hbm>>
      tpu.wait_dma2 semaphore(%run_scoped3A : memref<!tpu.dma_semaphore, #tpu.memory_space<semaphore_mem>>) src(%dma_wait3A_40 : memref<25x1024xi32, #tpu.memory_space<hbm>>) dst(%arg6 : memref<25x1024xi32, #tpu.memory_space<vmem>>)
      tpu.yield
    }) : () -> ()
    %iota3A = tpu.iota {dimensions = array<i32: 0>} : vector<16xi32>
    %shift_right_arithmetic3A = arith.constant 3 : i32
    %shift_right_arithmetic3A_2 = vector.broadcast %shift_right_arithmetic3A : i32 to vector<16xi32>
    %shift_right_arithmetic3A_3 = arith.shrsi %iota3A, %shift_right_arithmetic3A_2 : vector<16xi32>
    %and3A = arith.constant 7 : i32
    %and3A_4 = vector.broadcast %and3A : i32 to vector<16xi32>
    %and3A_5 = arith.andi %iota3A, %and3A_4 : vector<16xi32>
    %mul3A_6 = arith.constant 128 : i32
    %mul3A_7 = vector.broadcast %mul3A_6 : i32 to vector<16xi32>
    %mul3A_8 = arith.muli %and3A_5, %mul3A_7 : vector<16xi32>
    %scan3A = arith.constant 0 : i32
    %scan3A_9 = arith.constant 0 : i32
    %scan3A_10 = arith.constant 128 : i32
    %scan3A_11 = arith.addi %scan3A_9, %scan3A_10 : i32
    %scan3A_12 = arith.constant 1 : i32
    scf.for %scan3A_26 = %scan3A_9 to %scan3A_11 step %scan3A_12  : i32 {
      %add3A_27 = arith.constant 0 : i32
      %add3A_28 = vector.broadcast %add3A_27 : i32 to vector<16xi32>
      %add3A_29 = arith.addi %shift_right_arithmetic3A_3, %add3A_28 : vector<16xi32>
      %min3A = arith.constant 24 : i32
      %min3A_30 = vector.broadcast %min3A : i32 to vector<16xi32>
      %min3A_31 = arith.minsi %add3A_29, %min3A_30 : vector<16xi32>
      %add3A_32 = vector.broadcast %scan3A_26 : i32 to vector<16xi32>
      %add3A_33 = arith.addi %mul3A_8, %add3A_32 : vector<16xi32>
      %gather3A = tpu.vector_load_idx %arg6[%min3A_31, %add3A_33] : memref<25x1024xi32, #tpu.memory_space<vmem>>[vector<16xi32>, vector<16xi32>], vector<16xi32>,
      %swap3A = arith.index_cast %scan3A_26 : i32 to index
      %swap3A_34 = arith.constant 0 : index
      %swap3A_35 = tpu.vector_load %arg7[%swap3A, %swap3A_34] {strides = array<i32>} : memref<128x208xi32, #tpu.memory_space<vmem>>, vector<16xi32>,
      tpu.vector_store %arg7[%swap3A, %swap3A_34], %gather3A {strides = array<i32>} : memref<128x208xi32, #tpu.memory_space<vmem>>, vector<16xi32>,
      %add3A_36 = arith.constant 2 : i32
      %add3A_37 = vector.broadcast %add3A_36 : i32 to vector<16xi32>
      %add3A_38 = arith.addi %shift_right_arithmetic3A_3, %add3A_37 : vector<16xi32>
      %min3A_39 = arith.constant 24 : i32
      %min3A_40 = vector.broadcast %min3A_39 : i32 to vector<16xi32>
      %min3A_41 = arith.minsi %add3A_38, %min3A_40 : vector<16xi32>
      %add3A_42 = vector.broadcast %scan3A_26 : i32 to vector<16xi32>
      %add3A_43 = arith.addi %mul3A_8, %add3A_42 : vector<16xi32>
      %gather3A_44 = tpu.vector_load_idx %arg6[%min3A_41, %add3A_43] : memref<25x1024xi32, #tpu.memory_space<vmem>>[vector<16xi32>, vector<16xi32>], vector<16xi32>,
      %swap3A_45 = arith.index_cast %scan3A_26 : i32 to index
      %swap3A_46 = arith.constant 16 : index
      %swap3A_47 = tpu.vector_load %arg7[%swap3A_45, %swap3A_46] {strides = array<i32>} : memref<128x208xi32, #tpu.memory_space<vmem>>, vector<16xi32>,
      tpu.vector_store %arg7[%swap3A_45, %swap3A_46], %gather3A_44 {strides = array<i32>} : memref<128x208xi32, #tpu.memory_space<vmem>>, vector<16xi32>,
      %add3A_48 = arith.constant 4 : i32
      %add3A_49 = vector.broadcast %add3A_48 : i32 to vector<16xi32>
      %add3A_50 = arith.addi %shift_right_arithmetic3A_3, %add3A_49 : vector<16xi32>
      %min3A_51 = arith.constant 24 : i32
      %min3A_52 = vector.broadcast %min3A_51 : i32 to vector<16xi32>
      %min3A_53 = arith.minsi %add3A_50, %min3A_52 : vector<16xi32>
      %add3A_54 = vector.broadcast %scan3A_26 : i32 to vector<16xi32>
      %add3A_55 = arith.addi %mul3A_8, %add3A_54 : vector<16xi32>
      %gather3A_56 = tpu.vector_load_idx %arg6[%min3A_53, %add3A_55] : memref<25x1024xi32, #tpu.memory_space<vmem>>[vector<16xi32>, vector<16xi32>], vector<16xi32>,
      %swap3A_57 = arith.index_cast %scan3A_26 : i32 to index
      %swap3A_58 = arith.constant 32 : index
      %swap3A_59 = tpu.vector_load %arg7[%swap3A_57, %swap3A_58] {strides = array<i32>} : memref<128x208xi32, #tpu.memory_space<vmem>>, vector<16xi32>,
      tpu.vector_store %arg7[%swap3A_57, %swap3A_58], %gather3A_56 {strides = array<i32>} : memref<128x208xi32, #tpu.memory_space<vmem>>, vector<16xi32>,
      %add3A_60 = arith.constant 6 : i32
      %add3A_61 = vector.broadcast %add3A_60 : i32 to vector<16xi32>
      %add3A_62 = arith.addi %shift_right_arithmetic3A_3, %add3A_61 : vector<16xi32>
      %min3A_63 = arith.constant 24 : i32
      %min3A_64 = vector.broadcast %min3A_63 : i32 to vector<16xi32>
      %min3A_65 = arith.minsi %add3A_62, %min3A_64 : vector<16xi32>
      %add3A_66 = vector.broadcast %scan3A_26 : i32 to vector<16xi32>
      %add3A_67 = arith.addi %mul3A_8, %add3A_66 : vector<16xi32>
      %gather3A_68 = tpu.vector_load_idx %arg6[%min3A_65, %add3A_67] : memref<25x1024xi32, #tpu.memory_space<vmem>>[vector<16xi32>, vector<16xi32>], vector<16xi32>,
      %swap3A_69 = arith.index_cast %scan3A_26 : i32 to index
      %swap3A_70 = arith.constant 48 : index
      %swap3A_71 = tpu.vector_load %arg7[%swap3A_69, %swap3A_70] {strides = array<i32>} : memref<128x208xi32, #tpu.memory_space<vmem>>, vector<16xi32>,
      tpu.vector_store %arg7[%swap3A_69, %swap3A_70], %gather3A_68 {strides = array<i32>} : memref<128x208xi32, #tpu.memory_space<vmem>>, vector<16xi32>,
      %add3A_72 = arith.constant 8 : i32
      %add3A_73 = vector.broadcast %add3A_72 : i32 to vector<16xi32>
      %add3A_74 = arith.addi %shift_right_arithmetic3A_3, %add3A_73 : vector<16xi32>
      %min3A_75 = arith.constant 24 : i32
      %min3A_76 = vector.broadcast %min3A_75 : i32 to vector<16xi32>
      %min3A_77 = arith.minsi %add3A_74, %min3A_76 : vector<16xi32>
      %add3A_78 = vector.broadcast %scan3A_26 : i32 to vector<16xi32>
      %add3A_79 = arith.addi %mul3A_8, %add3A_78 : vector<16xi32>
      %gather3A_80 = tpu.vector_load_idx %arg6[%min3A_77, %add3A_79] : memref<25x1024xi32, #tpu.memory_space<vmem>>[vector<16xi32>, vector<16xi32>], vector<16xi32>,
      %swap3A_81 = arith.index_cast %scan3A_26 : i32 to index
      %swap3A_82 = arith.constant 64 : index
      %swap3A_83 = tpu.vector_load %arg7[%swap3A_81, %swap3A_82] {strides = array<i32>} : memref<128x208xi32, #tpu.memory_space<vmem>>, vector<16xi32>,
      tpu.vector_store %arg7[%swap3A_81, %swap3A_82], %gather3A_80 {strides = array<i32>} : memref<128x208xi32, #tpu.memory_space<vmem>>, vector<16xi32>,
      %add3A_84 = arith.constant 10 : i32
      %add3A_85 = vector.broadcast %add3A_84 : i32 to vector<16xi32>
      %add3A_86 = arith.addi %shift_right_arithmetic3A_3, %add3A_85 : vector<16xi32>
      %min3A_87 = arith.constant 24 : i32
      %min3A_88 = vector.broadcast %min3A_87 : i32 to vector<16xi32>
      %min3A_89 = arith.minsi %add3A_86, %min3A_88 : vector<16xi32>
      %add3A_90 = vector.broadcast %scan3A_26 : i32 to vector<16xi32>
      %add3A_91 = arith.addi %mul3A_8, %add3A_90 : vector<16xi32>
      %gather3A_92 = tpu.vector_load_idx %arg6[%min3A_89, %add3A_91] : memref<25x1024xi32, #tpu.memory_space<vmem>>[vector<16xi32>, vector<16xi32>], vector<16xi32>,
      %swap3A_93 = arith.index_cast %scan3A_26 : i32 to index
      %swap3A_94 = arith.constant 80 : index
      %swap3A_95 = tpu.vector_load %arg7[%swap3A_93, %swap3A_94] {strides = array<i32>} : memref<128x208xi32, #tpu.memory_space<vmem>>, vector<16xi32>,
      tpu.vector_store %arg7[%swap3A_93, %swap3A_94], %gather3A_92 {strides = array<i32>} : memref<128x208xi32, #tpu.memory_space<vmem>>, vector<16xi32>,
      %add3A_96 = arith.constant 12 : i32
      %add3A_97 = vector.broadcast %add3A_96 : i32 to vector<16xi32>
      %add3A_98 = arith.addi %shift_right_arithmetic3A_3, %add3A_97 : vector<16xi32>
      %min3A_99 = arith.constant 24 : i32
      %min3A_100 = vector.broadcast %min3A_99 : i32 to vector<16xi32>
      %min3A_101 = arith.minsi %add3A_98, %min3A_100 : vector<16xi32>
      %add3A_102 = vector.broadcast %scan3A_26 : i32 to vector<16xi32>
      %add3A_103 = arith.addi %mul3A_8, %add3A_102 : vector<16xi32>
      %gather3A_104 = tpu.vector_load_idx %arg6[%min3A_101, %add3A_103] : memref<25x1024xi32, #tpu.memory_space<vmem>>[vector<16xi32>, vector<16xi32>], vector<16xi32>,
      %swap3A_105 = arith.index_cast %scan3A_26 : i32 to index
      %swap3A_106 = arith.constant 96 : index
      %swap3A_107 = tpu.vector_load %arg7[%swap3A_105, %swap3A_106] {strides = array<i32>} : memref<128x208xi32, #tpu.memory_space<vmem>>, vector<16xi32>,
      tpu.vector_store %arg7[%swap3A_105, %swap3A_106], %gather3A_104 {strides = array<i32>} : memref<128x208xi32, #tpu.memory_space<vmem>>, vector<16xi32>,
      %add3A_108 = arith.constant 14 : i32
      %add3A_109 = vector.broadcast %add3A_108 : i32 to vector<16xi32>
      %add3A_110 = arith.addi %shift_right_arithmetic3A_3, %add3A_109 : vector<16xi32>
      %min3A_111 = arith.constant 24 : i32
      %min3A_112 = vector.broadcast %min3A_111 : i32 to vector<16xi32>
      %min3A_113 = arith.minsi %add3A_110, %min3A_112 : vector<16xi32>
      %add3A_114 = vector.broadcast %scan3A_26 : i32 to vector<16xi32>
      %add3A_115 = arith.addi %mul3A_8, %add3A_114 : vector<16xi32>
      %gather3A_116 = tpu.vector_load_idx %arg6[%min3A_113, %add3A_115] : memref<25x1024xi32, #tpu.memory_space<vmem>>[vector<16xi32>, vector<16xi32>], vector<16xi32>,
      %swap3A_117 = arith.index_cast %scan3A_26 : i32 to index
      %swap3A_118 = arith.constant 112 : index
      %swap3A_119 = tpu.vector_load %arg7[%swap3A_117, %swap3A_118] {strides = array<i32>} : memref<128x208xi32, #tpu.memory_space<vmem>>, vector<16xi32>,
      tpu.vector_store %arg7[%swap3A_117, %swap3A_118], %gather3A_116 {strides = array<i32>} : memref<128x208xi32, #tpu.memory_space<vmem>>, vector<16xi32>,
      %add3A_120 = arith.constant 16 : i32
      %add3A_121 = vector.broadcast %add3A_120 : i32 to vector<16xi32>
      %add3A_122 = arith.addi %shift_right_arithmetic3A_3, %add3A_121 : vector<16xi32>
      %min3A_123 = arith.constant 24 : i32
      %min3A_124 = vector.broadcast %min3A_123 : i32 to vector<16xi32>
      %min3A_125 = arith.minsi %add3A_122, %min3A_124 : vector<16xi32>
      %add3A_126 = vector.broadcast %scan3A_26 : i32 to vector<16xi32>
      %add3A_127 = arith.addi %mul3A_8, %add3A_126 : vector<16xi32>
      %gather3A_128 = tpu.vector_load_idx %arg6[%min3A_125, %add3A_127] : memref<25x1024xi32, #tpu.memory_space<vmem>>[vector<16xi32>, vector<16xi32>], vector<16xi32>,
      %swap3A_129 = arith.index_cast %scan3A_26 : i32 to index
      %swap3A_130 = arith.constant 128 : index
      %swap3A_131 = tpu.vector_load %arg7[%swap3A_129, %swap3A_130] {strides = array<i32>} : memref<128x208xi32, #tpu.memory_space<vmem>>, vector<16xi32>,
      tpu.vector_store %arg7[%swap3A_129, %swap3A_130], %gather3A_128 {strides = array<i32>} : memref<128x208xi32, #tpu.memory_space<vmem>>, vector<16xi32>,
      %add3A_132 = arith.constant 18 : i32
      %add3A_133 = vector.broadcast %add3A_132 : i32 to vector<16xi32>
      %add3A_134 = arith.addi %shift_right_arithmetic3A_3, %add3A_133 : vector<16xi32>
      %min3A_135 = arith.constant 24 : i32
      %min3A_136 = vector.broadcast %min3A_135 : i32 to vector<16xi32>
      %min3A_137 = arith.minsi %add3A_134, %min3A_136 : vector<16xi32>
      %add3A_138 = vector.broadcast %scan3A_26 : i32 to vector<16xi32>
      %add3A_139 = arith.addi %mul3A_8, %add3A_138 : vector<16xi32>
      %gather3A_140 = tpu.vector_load_idx %arg6[%min3A_137, %add3A_139] : memref<25x1024xi32, #tpu.memory_space<vmem>>[vector<16xi32>, vector<16xi32>], vector<16xi32>,
      %swap3A_141 = arith.index_cast %scan3A_26 : i32 to index
      %swap3A_142 = arith.constant 144 : index
      %swap3A_143 = tpu.vector_load %arg7[%swap3A_141, %swap3A_142] {strides = array<i32>} : memref<128x208xi32, #tpu.memory_space<vmem>>, vector<16xi32>,
      tpu.vector_store %arg7[%swap3A_141, %swap3A_142], %gather3A_140 {strides = array<i32>} : memref<128x208xi32, #tpu.memory_space<vmem>>, vector<16xi32>,
      %add3A_144 = arith.constant 20 : i32
      %add3A_145 = vector.broadcast %add3A_144 : i32 to vector<16xi32>
      %add3A_146 = arith.addi %shift_right_arithmetic3A_3, %add3A_145 : vector<16xi32>
      %min3A_147 = arith.constant 24 : i32
      %min3A_148 = vector.broadcast %min3A_147 : i32 to vector<16xi32>
      %min3A_149 = arith.minsi %add3A_146, %min3A_148 : vector<16xi32>
      %add3A_150 = vector.broadcast %scan3A_26 : i32 to vector<16xi32>
      %add3A_151 = arith.addi %mul3A_8, %add3A_150 : vector<16xi32>
      %gather3A_152 = tpu.vector_load_idx %arg6[%min3A_149, %add3A_151] : memref<25x1024xi32, #tpu.memory_space<vmem>>[vector<16xi32>, vector<16xi32>], vector<16xi32>,
      %swap3A_153 = arith.index_cast %scan3A_26 : i32 to index
      %swap3A_154 = arith.constant 160 : index
      %swap3A_155 = tpu.vector_load %arg7[%swap3A_153, %swap3A_154] {strides = array<i32>} : memref<128x208xi32, #tpu.memory_space<vmem>>, vector<16xi32>,
      tpu.vector_store %arg7[%swap3A_153, %swap3A_154], %gather3A_152 {strides = array<i32>} : memref<128x208xi32, #tpu.memory_space<vmem>>, vector<16xi32>,
      %add3A_156 = arith.constant 22 : i32
      %add3A_157 = vector.broadcast %add3A_156 : i32 to vector<16xi32>
      %add3A_158 = arith.addi %shift_right_arithmetic3A_3, %add3A_157 : vector<16xi32>
      %min3A_159 = arith.constant 24 : i32
      %min3A_160 = vector.broadcast %min3A_159 : i32 to vector<16xi32>
      %min3A_161 = arith.minsi %add3A_158, %min3A_160 : vector<16xi32>
      %add3A_162 = vector.broadcast %scan3A_26 : i32 to vector<16xi32>
      %add3A_163 = arith.addi %mul3A_8, %add3A_162 : vector<16xi32>
      %gather3A_164 = tpu.vector_load_idx %arg6[%min3A_161, %add3A_163] : memref<25x1024xi32, #tpu.memory_space<vmem>>[vector<16xi32>, vector<16xi32>], vector<16xi32>,
      %swap3A_165 = arith.index_cast %scan3A_26 : i32 to index
      %swap3A_166 = arith.constant 176 : index
      %swap3A_167 = tpu.vector_load %arg7[%swap3A_165, %swap3A_166] {strides = array<i32>} : memref<128x208xi32, #tpu.memory_space<vmem>>, vector<16xi32>,
      tpu.vector_store %arg7[%swap3A_165, %swap3A_166], %gather3A_164 {strides = array<i32>} : memref<128x208xi32, #tpu.memory_space<vmem>>, vector<16xi32>,
      %add3A_168 = arith.constant 24 : i32
      %add3A_169 = vector.broadcast %add3A_168 : i32 to vector<16xi32>
      %add3A_170 = arith.addi %shift_right_arithmetic3A_3, %add3A_169 : vector<16xi32>
      %min3A_171 = arith.constant 24 : i32
      %min3A_172 = vector.broadcast %min3A_171 : i32 to vector<16xi32>
      %min3A_173 = arith.minsi %add3A_170, %min3A_172 : vector<16xi32>
      %add3A_174 = vector.broadcast %scan3A_26 : i32 to vector<16xi32>
      %add3A_175 = arith.addi %mul3A_8, %add3A_174 : vector<16xi32>
      %gather3A_176 = tpu.vector_load_idx %arg6[%min3A_173, %add3A_175] : memref<25x1024xi32, #tpu.memory_space<vmem>>[vector<16xi32>, vector<16xi32>], vector<16xi32>,
      %add3A_177 = arith.constant 192 : i32
      %add3A_178 = vector.broadcast %add3A_177 : i32 to vector<16xi32>
      %add3A_179 = arith.addi %add3A_178, %iota3A : vector<16xi32>
      %lt3A = arith.constant 200 : i32
      %lt3A_180 = vector.broadcast %lt3A : i32 to vector<16xi32>
      %lt3A_181 = arith.cmpi slt, %add3A_179, %lt3A_180 : vector<16xi32>
      %jit3A = arith.constant 0 : i32
      %broadcast_in_dim3A = vector.broadcast %jit3A : i32 to vector<16xi32>
      %select_n3A = arith.select %lt3A_181, %gather3A_176, %broadcast_in_dim3A : vector<16xi1>, vector<16xi32>
      %swap3A_182 = arith.index_cast %scan3A_26 : i32 to index
      %swap3A_183 = arith.constant 192 : index
      %swap3A_184 = tpu.vector_load %arg7[%swap3A_182, %swap3A_183] {strides = array<i32>} : memref<128x208xi32, #tpu.memory_space<vmem>>, vector<16xi32>,
      tpu.vector_store %arg7[%swap3A_182, %swap3A_183], %select_n3A {strides = array<i32>} : memref<128x208xi32, #tpu.memory_space<vmem>>, vector<16xi32>,
    }
    %scan3A_13 = arith.constant 128 : i32
    %dma_start3A = arith.constant 0 : i32
    %dma_start3A_14 = arith.constant 0 : i32
    %dma_start3A_15 = tpu.memref_slice %arg7[%dma_start3A, %dma_start3A_14] : memref<128x208xi32, #tpu.memory_space<vmem>> -> memref<1x208xi32, #tpu.memory_space<vmem>>
    %dma_start3A_16 = tpu.memref_squeeze %dma_start3A_15 : memref<1x208xi32, #tpu.memory_space<vmem>> -> memref<208xi32, #tpu.memory_space<vmem>>
    %dma_start3A_17 = arith.constant 0 : i32
    %dma_start3A_18 = arith.constant 0 : i32
    %dma_start3A_19 = tpu.memref_slice %arg3[%dma_start3A_17, %dma_start3A_18] : memref<1000000x64xf32, #tpu.memory_space<hbm>> -> memref<1000000x64xf32, #tpu.memory_space<hbm>>
    tpu.enqueue_indirect_dma source(%dma_start3A_19 : memref<1000000x64xf32, #tpu.memory_space<hbm>>) target(%arg8 : memref<208x64xf32, #tpu.memory_space<vmem>>) offsets(%dma_start3A_16 : memref<208xi32, #tpu.memory_space<vmem>>) semaphore(%arg10 : memref<!tpu.dma_semaphore, #tpu.memory_space<semaphore_mem>>)
    %scan3A_20 = arith.constant 0 : i32
    %scan3A_21 = arith.constant 0 : i32
    %scan3A_22 = arith.constant 64 : i32
    %scan3A_23 = arith.addi %scan3A_21, %scan3A_22 : i32
    %scan3A_24 = arith.constant 1 : i32
    scf.for %scan3A_26 = %scan3A_21 to %scan3A_23 step %scan3A_24  : i32 {
      %mul3A_27 = arith.constant 2 : i32
      %mul3A_28 = arith.muli %mul3A_27, %scan3A_26 : i32
      %add3A_29 = arith.constant 1 : i32
      %add3A_30 = arith.addi %mul3A_28, %add3A_29 : i32
      %dma_start3A_31 = arith.constant 0 : i32
      %dma_start3A_32 = tpu.memref_slice %arg7[%add3A_30, %dma_start3A_31] : memref<128x208xi32, #tpu.memory_space<vmem>> -> memref<1x208xi32, #tpu.memory_space<vmem>>
      %dma_start3A_33 = tpu.memref_squeeze %dma_start3A_32 : memref<1x208xi32, #tpu.memory_space<vmem>> -> memref<208xi32, #tpu.memory_space<vmem>>
      %dma_start3A_34 = arith.constant 0 : i32
      %dma_start3A_35 = arith.constant 0 : i32
      %dma_start3A_36 = tpu.memref_slice %arg3[%dma_start3A_34, %dma_start3A_35] : memref<1000000x64xf32, #tpu.memory_space<hbm>> -> memref<1000000x64xf32, #tpu.memory_space<hbm>>
      tpu.enqueue_indirect_dma source(%dma_start3A_36 : memref<1000000x64xf32, #tpu.memory_space<hbm>>) target(%arg9 : memref<208x64xf32, #tpu.memory_space<vmem>>) offsets(%dma_start3A_33 : memref<208xi32, #tpu.memory_space<vmem>>) semaphore(%arg11 : memref<!tpu.dma_semaphore, #tpu.memory_space<semaphore_mem>>)
      %dma_wait3A = arith.constant 0 : i32
      %dma_wait3A_37 = tpu.memref_slice %arg7[%mul3A_28, %dma_wait3A] : memref<128x208xi32, #tpu.memory_space<vmem>> -> memref<1x208xi32, #tpu.memory_space<vmem>>
      %dma_wait3A_38 = tpu.memref_squeeze %dma_wait3A_37 : memref<1x208xi32, #tpu.memory_space<vmem>> -> memref<208xi32, #tpu.memory_space<vmem>>
      %dma_wait3A_39 = arith.constant 0 : i32
      %dma_wait3A_40 = arith.constant 0 : i32
      %dma_wait3A_41 = tpu.memref_slice %arg3[%dma_wait3A_39, %dma_wait3A_40] : memref<1000000x64xf32, #tpu.memory_space<hbm>> -> memref<1000000x64xf32, #tpu.memory_space<hbm>>
      tpu.wait_indirect_dma semaphore(%arg10 : memref<!tpu.dma_semaphore, #tpu.memory_space<semaphore_mem>>) src(%dma_wait3A_41 : memref<1000000x64xf32, #tpu.memory_space<hbm>>) dst(%arg8 : memref<208x64xf32, #tpu.memory_space<vmem>>)
      %scan3A_42 = arith.constant 0 : i32
      %scan3A_43 = arith.constant 0 : i32
      %scan3A_44 = arith.constant 208 : i32
      %scan3A_45 = arith.addi %scan3A_43, %scan3A_44 : i32
      %scan3A_46 = arith.constant 2 : i32
      scf.for %scan3A_76 = %scan3A_43 to %scan3A_45 step %scan3A_46  : i32 {
        %get3A_77 = arith.index_cast %scan3A_76 : i32 to index
        %get3A_78 = arith.constant 0 : index
        %get3A_79 = tpu.vector_load %arg8[%get3A_77, %get3A_78] {strides = array<i32>} : memref<208x64xf32, #tpu.memory_space<vmem>>, vector<16xf32>,
        %mul3A_80 = vector.broadcast %squeeze3A : f32 to vector<16xf32>
        %mul3A_81 = arith.mulf %get3A_79, %mul3A_80 : vector<16xf32>
        %swap3A = arith.index_cast %scan3A_76 : i32 to index
        %swap3A_82 = arith.constant 0 : index
        %swap3A_83 = tpu.vector_load %arg8[%swap3A, %swap3A_82] {strides = array<i32>} : memref<208x64xf32, #tpu.memory_space<vmem>>, vector<16xf32>,
        tpu.vector_store %arg8[%swap3A, %swap3A_82], %mul3A_81 {strides = array<i32>} : memref<208x64xf32, #tpu.memory_space<vmem>>, vector<16xf32>,
        %get3A_84 = arith.index_cast %scan3A_76 : i32 to index
        %get3A_85 = arith.constant 16 : index
        %get3A_86 = tpu.vector_load %arg8[%get3A_84, %get3A_85] {strides = array<i32>} : memref<208x64xf32, #tpu.memory_space<vmem>>, vector<16xf32>,
        %mul3A_87 = vector.broadcast %squeeze3A : f32 to vector<16xf32>
        %mul3A_88 = arith.mulf %get3A_86, %mul3A_87 : vector<16xf32>
        %swap3A_89 = arith.index_cast %scan3A_76 : i32 to index
        %swap3A_90 = arith.constant 16 : index
        %swap3A_91 = tpu.vector_load %arg8[%swap3A_89, %swap3A_90] {strides = array<i32>} : memref<208x64xf32, #tpu.memory_space<vmem>>, vector<16xf32>,
        tpu.vector_store %arg8[%swap3A_89, %swap3A_90], %mul3A_88 {strides = array<i32>} : memref<208x64xf32, #tpu.memory_space<vmem>>, vector<16xf32>,
        %get3A_92 = arith.index_cast %scan3A_76 : i32 to index
        %get3A_93 = arith.constant 32 : index
        %get3A_94 = tpu.vector_load %arg8[%get3A_92, %get3A_93] {strides = array<i32>} : memref<208x64xf32, #tpu.memory_space<vmem>>, vector<16xf32>,
        %mul3A_95 = vector.broadcast %squeeze3A : f32 to vector<16xf32>
        %mul3A_96 = arith.mulf %get3A_94, %mul3A_95 : vector<16xf32>
        %swap3A_97 = arith.index_cast %scan3A_76 : i32 to index
        %swap3A_98 = arith.constant 32 : index
        %swap3A_99 = tpu.vector_load %arg8[%swap3A_97, %swap3A_98] {strides = array<i32>} : memref<208x64xf32, #tpu.memory_space<vmem>>, vector<16xf32>,
        tpu.vector_store %arg8[%swap3A_97, %swap3A_98], %mul3A_96 {strides = array<i32>} : memref<208x64xf32, #tpu.memory_space<vmem>>, vector<16xf32>,
        %get3A_100 = arith.index_cast %scan3A_76 : i32 to index
        %get3A_101 = arith.constant 48 : index
        %get3A_102 = tpu.vector_load %arg8[%get3A_100, %get3A_101] {strides = array<i32>} : memref<208x64xf32, #tpu.memory_space<vmem>>, vector<16xf32>,
        %mul3A_103 = vector.broadcast %squeeze3A : f32 to vector<16xf32>
        %mul3A_104 = arith.mulf %get3A_102, %mul3A_103 : vector<16xf32>
        %swap3A_105 = arith.index_cast %scan3A_76 : i32 to index
        %swap3A_106 = arith.constant 48 : index
        %swap3A_107 = tpu.vector_load %arg8[%swap3A_105, %swap3A_106] {strides = array<i32>} : memref<208x64xf32, #tpu.memory_space<vmem>>, vector<16xf32>,
        tpu.vector_store %arg8[%swap3A_105, %swap3A_106], %mul3A_104 {strides = array<i32>} : memref<208x64xf32, #tpu.memory_space<vmem>>, vector<16xf32>,
        %scan3A_108 = arith.constant 1 : i32
        %scan3A_109 = arith.addi %scan3A_76, %scan3A_108 : i32
        %get3A_110 = arith.index_cast %scan3A_109 : i32 to index
        %get3A_111 = arith.constant 0 : index
        %get3A_112 = tpu.vector_load %arg8[%get3A_110, %get3A_111] {strides = array<i32>} : memref<208x64xf32, #tpu.memory_space<vmem>>, vector<16xf32>,
        %mul3A_113 = vector.broadcast %squeeze3A : f32 to vector<16xf32>
        %mul3A_114 = arith.mulf %get3A_112, %mul3A_113 : vector<16xf32>
        %swap3A_115 = arith.index_cast %scan3A_109 : i32 to index
        %swap3A_116 = arith.constant 0 : index
        %swap3A_117 = tpu.vector_load %arg8[%swap3A_115, %swap3A_116] {strides = array<i32>} : memref<208x64xf32, #tpu.memory_space<vmem>>, vector<16xf32>,
        tpu.vector_store %arg8[%swap3A_115, %swap3A_116], %mul3A_114 {strides = array<i32>} : memref<208x64xf32, #tpu.memory_space<vmem>>, vector<16xf32>,
        %get3A_118 = arith.index_cast %scan3A_109 : i32 to index
        %get3A_119 = arith.constant 16 : index
        %get3A_120 = tpu.vector_load %arg8[%get3A_118, %get3A_119] {strides = array<i32>} : memref<208x64xf32, #tpu.memory_space<vmem>>, vector<16xf32>,
        %mul3A_121 = vector.broadcast %squeeze3A : f32 to vector<16xf32>
        %mul3A_122 = arith.mulf %get3A_120, %mul3A_121 : vector<16xf32>
        %swap3A_123 = arith.index_cast %scan3A_109 : i32 to index
        %swap3A_124 = arith.constant 16 : index
        %swap3A_125 = tpu.vector_load %arg8[%swap3A_123, %swap3A_124] {strides = array<i32>} : memref<208x64xf32, #tpu.memory_space<vmem>>, vector<16xf32>,
        tpu.vector_store %arg8[%swap3A_123, %swap3A_124], %mul3A_122 {strides = array<i32>} : memref<208x64xf32, #tpu.memory_space<vmem>>, vector<16xf32>,
        %get3A_126 = arith.index_cast %scan3A_109 : i32 to index
        %get3A_127 = arith.constant 32 : index
        %get3A_128 = tpu.vector_load %arg8[%get3A_126, %get3A_127] {strides = array<i32>} : memref<208x64xf32, #tpu.memory_space<vmem>>, vector<16xf32>,
        %mul3A_129 = vector.broadcast %squeeze3A : f32 to vector<16xf32>
        %mul3A_130 = arith.mulf %get3A_128, %mul3A_129 : vector<16xf32>
        %swap3A_131 = arith.index_cast %scan3A_109 : i32 to index
        %swap3A_132 = arith.constant 32 : index
        %swap3A_133 = tpu.vector_load %arg8[%swap3A_131, %swap3A_132] {strides = array<i32>} : memref<208x64xf32, #tpu.memory_space<vmem>>, vector<16xf32>,
        tpu.vector_store %arg8[%swap3A_131, %swap3A_132], %mul3A_130 {strides = array<i32>} : memref<208x64xf32, #tpu.memory_space<vmem>>, vector<16xf32>,
        %get3A_134 = arith.index_cast %scan3A_109 : i32 to index
        %get3A_135 = arith.constant 48 : index
        %get3A_136 = tpu.vector_load %arg8[%get3A_134, %get3A_135] {strides = array<i32>} : memref<208x64xf32, #tpu.memory_space<vmem>>, vector<16xf32>,
        %mul3A_137 = vector.broadcast %squeeze3A : f32 to vector<16xf32>
        %mul3A_138 = arith.mulf %get3A_136, %mul3A_137 : vector<16xf32>
        %swap3A_139 = arith.index_cast %scan3A_109 : i32 to index
        %swap3A_140 = arith.constant 48 : index
        %swap3A_141 = tpu.vector_load %arg8[%swap3A_139, %swap3A_140] {strides = array<i32>} : memref<208x64xf32, #tpu.memory_space<vmem>>, vector<16xf32>,
        tpu.vector_store %arg8[%swap3A_139, %swap3A_140], %mul3A_138 {strides = array<i32>} : memref<208x64xf32, #tpu.memory_space<vmem>>, vector<16xf32>,
      }
      %scan3A_47 = arith.constant 208 : i32
      %mul3A_48 = arith.constant 128 : i32
      %mul3A_49 = arith.muli %add3A, %mul3A_48 : i32
      %add3A_50 = arith.addi %mul3A_49, %mul3A_28 : i32
      %mul3A_51 = arith.constant 200 : i32
      %mul3A_52 = arith.muli %add3A_50, %mul3A_51 : i32
      "tpu.region"() ({
        %run_scoped3A = tpu.sem_alloc : memref<!tpu.dma_semaphore, #tpu.memory_space<semaphore_mem>>
        %dma_start3A_76 = arith.constant 0 : i32
        %dma_start3A_77 = arith.constant 0 : i32
        %dma_start3A_78 = tpu.memref_slice %arg8[%dma_start3A_76, %dma_start3A_77] : memref<208x64xf32, #tpu.memory_space<vmem>> -> memref<200x64xf32, #tpu.memory_space<vmem>>
        %dma_start3A_79 = arith.constant 0 : i32
        %dma_start3A_80 = tpu.memref_slice %arg5[%mul3A_52, %dma_start3A_79] : memref<819200x64xf32, #tpu.memory_space<hbm>> -> memref<200x64xf32, #tpu.memory_space<hbm>>
        %dma_start3A_81 = arith.constant 0 : i32
        %dma_start3A_82 = tpu.memref_slice %arg5[%mul3A_52, %dma_start3A_81] : memref<819200x64xf32, #tpu.memory_space<hbm>> -> memref<200x64xf32, #tpu.memory_space<hbm>>
        %dma_start3A_83 = arith.constant 0 : i32
        %dma_start3A_84 = arith.constant 0 : i32
        %dma_start3A_85 = tpu.memref_slice %arg8[%dma_start3A_83, %dma_start3A_84] : memref<208x64xf32, #tpu.memory_space<vmem>> -> memref<200x64xf32, #tpu.memory_space<vmem>>
        tpu.enqueue_dma source(%dma_start3A_85 : memref<200x64xf32, #tpu.memory_space<vmem>>) target(%dma_start3A_82 : memref<200x64xf32, #tpu.memory_space<hbm>>) target_semaphore(%run_scoped3A : memref<!tpu.dma_semaphore, #tpu.memory_space<semaphore_mem>>)
        %dma_wait3A_86 = arith.constant 0 : i32
        %dma_wait3A_87 = arith.constant 0 : i32
        %dma_wait3A_88 = tpu.memref_slice %arg8[%dma_wait3A_86, %dma_wait3A_87] : memref<208x64xf32, #tpu.memory_space<vmem>> -> memref<200x64xf32, #tpu.memory_space<vmem>>
        %dma_wait3A_89 = arith.constant 0 : i32
        %dma_wait3A_90 = tpu.memref_slice %arg5[%mul3A_52, %dma_wait3A_89] : memref<819200x64xf32, #tpu.memory_space<hbm>> -> memref<200x64xf32, #tpu.memory_space<hbm>>
        %dma_wait3A_91 = arith.constant 0 : i32
        %dma_wait3A_92 = tpu.memref_slice %arg5[%mul3A_52, %dma_wait3A_91] : memref<819200x64xf32, #tpu.memory_space<hbm>> -> memref<200x64xf32, #tpu.memory_space<hbm>>
        %dma_wait3A_93 = arith.constant 0 : i32
        %dma_wait3A_94 = arith.constant 0 : i32
        %dma_wait3A_95 = tpu.memref_slice %arg8[%dma_wait3A_93, %dma_wait3A_94] : memref<208x64xf32, #tpu.memory_space<vmem>> -> memref<200x64xf32, #tpu.memory_space<vmem>>
        tpu.wait_dma2 semaphore(%run_scoped3A : memref<!tpu.dma_semaphore, #tpu.memory_space<semaphore_mem>>) src(%dma_wait3A_95 : memref<200x64xf32, #tpu.memory_space<vmem>>) dst(%dma_wait3A_92 : memref<200x64xf32, #tpu.memory_space<hbm>>)
        tpu.yield
      }) : () -> ()
      %add3A_53 = arith.constant 1 : i32
      %add3A_54 = arith.addi %scan3A_26, %add3A_53 : i32
      %lt3A = arith.constant 64 : i32
      %lt3A_55 = arith.cmpi slt, %add3A_54, %lt3A : i32
      %convert_element_type3A = arith.extui %lt3A_55 : i1 to i32
      %cond3A = arith.constant 0 : i32
      %cond3A_56 = arith.cmpi ne, %convert_element_type3A, %cond3A : i32
      scf.if %cond3A_56 {
        %add3A_76 = arith.constant 2 : i32
        %add3A_77 = arith.addi %mul3A_28, %add3A_76 : i32
        %dma_start3A_78 = arith.constant 0 : i32
        %dma_start3A_79 = tpu.memref_slice %arg7[%add3A_77, %dma_start3A_78] : memref<128x208xi32, #tpu.memory_space<vmem>> -> memref<1x208xi32, #tpu.memory_space<vmem>>
        %dma_start3A_80 = tpu.memref_squeeze %dma_start3A_79 : memref<1x208xi32, #tpu.memory_space<vmem>> -> memref<208xi32, #tpu.memory_space<vmem>>
        %dma_start3A_81 = arith.constant 0 : i32
        %dma_start3A_82 = arith.constant 0 : i32
        %dma_start3A_83 = tpu.memref_slice %arg3[%dma_start3A_81, %dma_start3A_82] : memref<1000000x64xf32, #tpu.memory_space<hbm>> -> memref<1000000x64xf32, #tpu.memory_space<hbm>>
        tpu.enqueue_indirect_dma source(%dma_start3A_83 : memref<1000000x64xf32, #tpu.memory_space<hbm>>) target(%arg8 : memref<208x64xf32, #tpu.memory_space<vmem>>) offsets(%dma_start3A_80 : memref<208xi32, #tpu.memory_space<vmem>>) semaphore(%arg10 : memref<!tpu.dma_semaphore, #tpu.memory_space<semaphore_mem>>)
      } else {
      }
      %add3A_57 = arith.constant 1 : i32
      %add3A_58 = arith.addi %mul3A_28, %add3A_57 : i32
      %dma_wait3A_59 = arith.constant 0 : i32
      %dma_wait3A_60 = tpu.memref_slice %arg7[%add3A_58, %dma_wait3A_59] : memref<128x208xi32, #tpu.memory_space<vmem>> -> memref<1x208xi32, #tpu.memory_space<vmem>>
      %dma_wait3A_61 = tpu.memref_squeeze %dma_wait3A_60 : memref<1x208xi32, #tpu.memory_space<vmem>> -> memref<208xi32, #tpu.memory_space<vmem>>
      %dma_wait3A_62 = arith.constant 0 : i32
      %dma_wait3A_63 = arith.constant 0 : i32
      %dma_wait3A_64 = tpu.memref_slice %arg3[%dma_wait3A_62, %dma_wait3A_63] : memref<1000000x64xf32, #tpu.memory_space<hbm>> -> memref<1000000x64xf32, #tpu.memory_space<hbm>>
      tpu.wait_indirect_dma semaphore(%arg11 : memref<!tpu.dma_semaphore, #tpu.memory_space<semaphore_mem>>) src(%dma_wait3A_64 : memref<1000000x64xf32, #tpu.memory_space<hbm>>) dst(%arg9 : memref<208x64xf32, #tpu.memory_space<vmem>>)
      %scan3A_65 = arith.constant 0 : i32
      %scan3A_66 = arith.constant 0 : i32
      %scan3A_67 = arith.constant 208 : i32
      %scan3A_68 = arith.addi %scan3A_66, %scan3A_67 : i32
      %scan3A_69 = arith.constant 2 : i32
      scf.for %scan3A_76 = %scan3A_66 to %scan3A_68 step %scan3A_69  : i32 {
        %get3A_77 = arith.index_cast %scan3A_76 : i32 to index
        %get3A_78 = arith.constant 0 : index
        %get3A_79 = tpu.vector_load %arg9[%get3A_77, %get3A_78] {strides = array<i32>} : memref<208x64xf32, #tpu.memory_space<vmem>>, vector<16xf32>,
        %mul3A_80 = vector.broadcast %squeeze3A : f32 to vector<16xf32>
        %mul3A_81 = arith.mulf %get3A_79, %mul3A_80 : vector<16xf32>
        %swap3A = arith.index_cast %scan3A_76 : i32 to index
        %swap3A_82 = arith.constant 0 : index
        %swap3A_83 = tpu.vector_load %arg9[%swap3A, %swap3A_82] {strides = array<i32>} : memref<208x64xf32, #tpu.memory_space<vmem>>, vector<16xf32>,
        tpu.vector_store %arg9[%swap3A, %swap3A_82], %mul3A_81 {strides = array<i32>} : memref<208x64xf32, #tpu.memory_space<vmem>>, vector<16xf32>,
        %get3A_84 = arith.index_cast %scan3A_76 : i32 to index
        %get3A_85 = arith.constant 16 : index
        %get3A_86 = tpu.vector_load %arg9[%get3A_84, %get3A_85] {strides = array<i32>} : memref<208x64xf32, #tpu.memory_space<vmem>>, vector<16xf32>,
        %mul3A_87 = vector.broadcast %squeeze3A : f32 to vector<16xf32>
        %mul3A_88 = arith.mulf %get3A_86, %mul3A_87 : vector<16xf32>
        %swap3A_89 = arith.index_cast %scan3A_76 : i32 to index
        %swap3A_90 = arith.constant 16 : index
        %swap3A_91 = tpu.vector_load %arg9[%swap3A_89, %swap3A_90] {strides = array<i32>} : memref<208x64xf32, #tpu.memory_space<vmem>>, vector<16xf32>,
        tpu.vector_store %arg9[%swap3A_89, %swap3A_90], %mul3A_88 {strides = array<i32>} : memref<208x64xf32, #tpu.memory_space<vmem>>, vector<16xf32>,
        %get3A_92 = arith.index_cast %scan3A_76 : i32 to index
        %get3A_93 = arith.constant 32 : index
        %get3A_94 = tpu.vector_load %arg9[%get3A_92, %get3A_93] {strides = array<i32>} : memref<208x64xf32, #tpu.memory_space<vmem>>, vector<16xf32>,
        %mul3A_95 = vector.broadcast %squeeze3A : f32 to vector<16xf32>
        %mul3A_96 = arith.mulf %get3A_94, %mul3A_95 : vector<16xf32>
        %swap3A_97 = arith.index_cast %scan3A_76 : i32 to index
        %swap3A_98 = arith.constant 32 : index
        %swap3A_99 = tpu.vector_load %arg9[%swap3A_97, %swap3A_98] {strides = array<i32>} : memref<208x64xf32, #tpu.memory_space<vmem>>, vector<16xf32>,
        tpu.vector_store %arg9[%swap3A_97, %swap3A_98], %mul3A_96 {strides = array<i32>} : memref<208x64xf32, #tpu.memory_space<vmem>>, vector<16xf32>,
        %get3A_100 = arith.index_cast %scan3A_76 : i32 to index
        %get3A_101 = arith.constant 48 : index
        %get3A_102 = tpu.vector_load %arg9[%get3A_100, %get3A_101] {strides = array<i32>} : memref<208x64xf32, #tpu.memory_space<vmem>>, vector<16xf32>,
        %mul3A_103 = vector.broadcast %squeeze3A : f32 to vector<16xf32>
        %mul3A_104 = arith.mulf %get3A_102, %mul3A_103 : vector<16xf32>
        %swap3A_105 = arith.index_cast %scan3A_76 : i32 to index
        %swap3A_106 = arith.constant 48 : index
        %swap3A_107 = tpu.vector_load %arg9[%swap3A_105, %swap3A_106] {strides = array<i32>} : memref<208x64xf32, #tpu.memory_space<vmem>>, vector<16xf32>,
        tpu.vector_store %arg9[%swap3A_105, %swap3A_106], %mul3A_104 {strides = array<i32>} : memref<208x64xf32, #tpu.memory_space<vmem>>, vector<16xf32>,
        %scan3A_108 = arith.constant 1 : i32
        %scan3A_109 = arith.addi %scan3A_76, %scan3A_108 : i32
        %get3A_110 = arith.index_cast %scan3A_109 : i32 to index
        %get3A_111 = arith.constant 0 : index
        %get3A_112 = tpu.vector_load %arg9[%get3A_110, %get3A_111] {strides = array<i32>} : memref<208x64xf32, #tpu.memory_space<vmem>>, vector<16xf32>,
        %mul3A_113 = vector.broadcast %squeeze3A : f32 to vector<16xf32>
        %mul3A_114 = arith.mulf %get3A_112, %mul3A_113 : vector<16xf32>
        %swap3A_115 = arith.index_cast %scan3A_109 : i32 to index
        %swap3A_116 = arith.constant 0 : index
        %swap3A_117 = tpu.vector_load %arg9[%swap3A_115, %swap3A_116] {strides = array<i32>} : memref<208x64xf32, #tpu.memory_space<vmem>>, vector<16xf32>,
        tpu.vector_store %arg9[%swap3A_115, %swap3A_116], %mul3A_114 {strides = array<i32>} : memref<208x64xf32, #tpu.memory_space<vmem>>, vector<16xf32>,
        %get3A_118 = arith.index_cast %scan3A_109 : i32 to index
        %get3A_119 = arith.constant 16 : index
        %get3A_120 = tpu.vector_load %arg9[%get3A_118, %get3A_119] {strides = array<i32>} : memref<208x64xf32, #tpu.memory_space<vmem>>, vector<16xf32>,
        %mul3A_121 = vector.broadcast %squeeze3A : f32 to vector<16xf32>
        %mul3A_122 = arith.mulf %get3A_120, %mul3A_121 : vector<16xf32>
        %swap3A_123 = arith.index_cast %scan3A_109 : i32 to index
        %swap3A_124 = arith.constant 16 : index
        %swap3A_125 = tpu.vector_load %arg9[%swap3A_123, %swap3A_124] {strides = array<i32>} : memref<208x64xf32, #tpu.memory_space<vmem>>, vector<16xf32>,
        tpu.vector_store %arg9[%swap3A_123, %swap3A_124], %mul3A_122 {strides = array<i32>} : memref<208x64xf32, #tpu.memory_space<vmem>>, vector<16xf32>,
        %get3A_126 = arith.index_cast %scan3A_109 : i32 to index
        %get3A_127 = arith.constant 32 : index
        %get3A_128 = tpu.vector_load %arg9[%get3A_126, %get3A_127] {strides = array<i32>} : memref<208x64xf32, #tpu.memory_space<vmem>>, vector<16xf32>,
        %mul3A_129 = vector.broadcast %squeeze3A : f32 to vector<16xf32>
        %mul3A_130 = arith.mulf %get3A_128, %mul3A_129 : vector<16xf32>
        %swap3A_131 = arith.index_cast %scan3A_109 : i32 to index
        %swap3A_132 = arith.constant 32 : index
        %swap3A_133 = tpu.vector_load %arg9[%swap3A_131, %swap3A_132] {strides = array<i32>} : memref<208x64xf32, #tpu.memory_space<vmem>>, vector<16xf32>,
        tpu.vector_store %arg9[%swap3A_131, %swap3A_132], %mul3A_130 {strides = array<i32>} : memref<208x64xf32, #tpu.memory_space<vmem>>, vector<16xf32>,
        %get3A_134 = arith.index_cast %scan3A_109 : i32 to index
        %get3A_135 = arith.constant 48 : index
        %get3A_136 = tpu.vector_load %arg9[%get3A_134, %get3A_135] {strides = array<i32>} : memref<208x64xf32, #tpu.memory_space<vmem>>, vector<16xf32>,
        %mul3A_137 = vector.broadcast %squeeze3A : f32 to vector<16xf32>
        %mul3A_138 = arith.mulf %get3A_136, %mul3A_137 : vector<16xf32>
        %swap3A_139 = arith.index_cast %scan3A_109 : i32 to index
        %swap3A_140 = arith.constant 48 : index
        %swap3A_141 = tpu.vector_load %arg9[%swap3A_139, %swap3A_140] {strides = array<i32>} : memref<208x64xf32, #tpu.memory_space<vmem>>, vector<16xf32>,
        tpu.vector_store %arg9[%swap3A_139, %swap3A_140], %mul3A_138 {strides = array<i32>} : memref<208x64xf32, #tpu.memory_space<vmem>>, vector<16xf32>,
      }
      %scan3A_70 = arith.constant 208 : i32
      %mul3A_71 = arith.constant 128 : i32
      %mul3A_72 = arith.muli %add3A, %mul3A_71 : i32
      %add3A_73 = arith.addi %mul3A_72, %add3A_58 : i32
      %mul3A_74 = arith.constant 200 : i32
      %mul3A_75 = arith.muli %add3A_73, %mul3A_74 : i32
      "tpu.region"() ({
        %run_scoped3A = tpu.sem_alloc : memref<!tpu.dma_semaphore, #tpu.memory_space<semaphore_mem>>
        %dma_start3A_76 = arith.constant 0 : i32
        %dma_start3A_77 = arith.constant 0 : i32
        %dma_start3A_78 = tpu.memref_slice %arg9[%dma_start3A_76, %dma_start3A_77] : memref<208x64xf32, #tpu.memory_space<vmem>> -> memref<200x64xf32, #tpu.memory_space<vmem>>
        %dma_start3A_79 = arith.constant 0 : i32
        %dma_start3A_80 = tpu.memref_slice %arg5[%mul3A_75, %dma_start3A_79] : memref<819200x64xf32, #tpu.memory_space<hbm>> -> memref<200x64xf32, #tpu.memory_space<hbm>>
        %dma_start3A_81 = arith.constant 0 : i32
        %dma_start3A_82 = tpu.memref_slice %arg5[%mul3A_75, %dma_start3A_81] : memref<819200x64xf32, #tpu.memory_space<hbm>> -> memref<200x64xf32, #tpu.memory_space<hbm>>
        %dma_start3A_83 = arith.constant 0 : i32
        %dma_start3A_84 = arith.constant 0 : i32
        %dma_start3A_85 = tpu.memref_slice %arg9[%dma_start3A_83, %dma_start3A_84] : memref<208x64xf32, #tpu.memory_space<vmem>> -> memref<200x64xf32, #tpu.memory_space<vmem>>
        tpu.enqueue_dma source(%dma_start3A_85 : memref<200x64xf32, #tpu.memory_space<vmem>>) target(%dma_start3A_82 : memref<200x64xf32, #tpu.memory_space<hbm>>) target_semaphore(%run_scoped3A : memref<!tpu.dma_semaphore, #tpu.memory_space<semaphore_mem>>)
        %dma_wait3A_86 = arith.constant 0 : i32
        %dma_wait3A_87 = arith.constant 0 : i32
        %dma_wait3A_88 = tpu.memref_slice %arg9[%dma_wait3A_86, %dma_wait3A_87] : memref<208x64xf32, #tpu.memory_space<vmem>> -> memref<200x64xf32, #tpu.memory_space<vmem>>
        %dma_wait3A_89 = arith.constant 0 : i32
        %dma_wait3A_90 = tpu.memref_slice %arg5[%mul3A_75, %dma_wait3A_89] : memref<819200x64xf32, #tpu.memory_space<hbm>> -> memref<200x64xf32, #tpu.memory_space<hbm>>
        %dma_wait3A_91 = arith.constant 0 : i32
        %dma_wait3A_92 = tpu.memref_slice %arg5[%mul3A_75, %dma_wait3A_91] : memref<819200x64xf32, #tpu.memory_space<hbm>> -> memref<200x64xf32, #tpu.memory_space<hbm>>
        %dma_wait3A_93 = arith.constant 0 : i32
        %dma_wait3A_94 = arith.constant 0 : i32
        %dma_wait3A_95 = tpu.memref_slice %arg9[%dma_wait3A_93, %dma_wait3A_94] : memref<208x64xf32, #tpu.memory_space<vmem>> -> memref<200x64xf32, #tpu.memory_space<vmem>>
        tpu.wait_dma2 semaphore(%run_scoped3A : memref<!tpu.dma_semaphore, #tpu.memory_space<semaphore_mem>>) src(%dma_wait3A_95 : memref<200x64xf32, #tpu.memory_space<vmem>>) dst(%dma_wait3A_92 : memref<200x64xf32, #tpu.memory_space<hbm>>)
        tpu.yield
      }) : () -> ()
    }
    %scan3A_25 = arith.constant 64 : i32
    return
  }
}

</mosaic_0001>

<sc_bundles>
// kernel: kernel.3.cloned.1.call-start
scs
__scs_entry_jumppad:
0x0: {  	(pc) =	sbr.rel $0x88, $3  }
0x1: {  	(tag) =	ssettag $0x0;
	lr =	simm.s32 $0x1  }
0x2: {  	[smem:$0x3F9F] =	sst lr;
	_ =	strace $0xD0000000  }
0x3: {  	_ = 	snop  }
0x4: {  	_ = 	snop  }
0x5: {  	_ = 	snop  }
0x6: {  	_ = 	snop  }
0x7: {  	_ = 	snop  }
__scs_overlays_trampoline_lowered:
0x8: {  	[smem:$0x3FAE] =	sst s0  }
0x9: {  	[smem:$0x3FAF] =	sst s1  }
0xa: {  	[smem:$0x3FB0] =	sst s2  }
0xb: {  	[smem:$0x3FB1] =	sst s3  }
0xc: {  	[smem:$0x3FB2] =	sst s4  }
0xd: {  	[smem:$0x3FB3] =	sst s5  }
0xe: {  	[smem:$0x3FB4] =	sst s6  }
0xf: {  	[smem:$0x3FB5] =	sst s7  }
0x10: {  	[smem:$0x3FB6] =	sst s8  }
0x11: {  	[smem:$0x3FB7] =	sst s9;
	s0 =	simm.s32 @!p0 $0x0  }
0x12: {  	s1 =	sld [smem:$0x3F9D];
	s0 =	simm.s32 @p0 $0x1  }
0x13: {  	[smem:$0x3FB8] =	sst s0;
	s0 =	simm.s32 @!p1 $0x0  }
0x14: {  	s2 =	sld [smem:$0x3F9C];
	s0 =	simm.s32 @p1 $0x1  }
0x15: {  	[smem:$0x3FB9] =	sst s0;
	s0 =	simm.s32 @!p2 $0x0  }
0x16: {  	s3 =	sld [smem:$0x3FDB];
	s0 =	simm.s32 @p2 $0x1  }
0x17: {  	s4 =	simm.s32 $0x1BF5;
	[smem:$0x3FBB] =	sst s0  }
0x18: {  	s0 =	sld [smem:$0x3F9E];
	_ =	swait.ge [sflag:s4], $0x0  }
0x19: {  	s7 =	sld [smem:$0x3F9F]  }
0x1a: {  	s8 =	sadd.s32 $0xFFFFE003, lr  }
0x1b: {  	s9 =	sadd.s32 $0xFFFFFEF7, lr;
	s5 =	simm.s32 $0xFFFFFFFF;
	p2 =	slt.u32 s8, $0xFFFFF086  }
0x1c: {  	p1 =	slt.u32 s9, $0xF7A;
	s5 =	simm.s32 @!p2 $0x0  }
0x1d: {  	s5 =	simm.s32 @p1 $0x1;
	p0 =	seq.s32 s7, s2  }
0x1e: {  	s7 =	smul.u32 @!p0 $0xF7A, s2;
	p2 =	seq.s32 @!p0 s5, $0x0  }
0x1f: {  	s9 =	smul.u32 $0xF7A, s1;
	s8 =	simm.s32 @!p0 $0x1BF5;
	p2 =	por !p2, p0  }
0x20: {  	[sflag:s8] =	ssyncset.s32 @!p0 $0xFFFFF086;
	s6 =	sadd.s32 @!p0 s3, s7;
	s7 =	simm.s32 @!p0 $0x108  }
0x21: {  	s3 =	sadd.s32 s3, s9;
	s6 =	sadd.s32 @!p0 $0x88, s6;
	s7 =	simm.s32 @p2 $0x1082  }
0x22: {  	[simem:s7], [sflag:s8] =	dma.local @!p0 [hbm:s6], $0xF7A  }
0x23: {  	s9 =	sor.u32 $0xD0000000, s2;
	s6 =	simm.s32 $0x108;
	_ =	swait.ge @!p0 [sflag:s8], $0x0  }
0x24: {  	s3 =	sadd.s32 $0x88, s3;
	s6 =	simm.s32 @!p1 $0x1082;
	[sflag:s4] =	ssyncset.s32 $0xFFFFF086  }
0x25: {  	[simem:s6], [sflag:s4] =	dma.local [hbm:s3], $0xF7A  }
0x26: {  	[smem:$0x3F9F] =	sst s1;
	(tag) =	ssettag s2;
	_ =	strace s9  }
0x27: {  	s1 =	sld [smem:$0x3FAF]  }
0x28: {  	s2 =	sld [smem:$0x3FB0]  }
0x29: {  	s4 =	sld [smem:$0x3FB2]  }
0x2a: {  	p0 =	seq.s32 s5, $0x0;
	s5 =	sld [smem:$0x3FB3]  }
0x2b: {  	s6 =	sld [smem:$0x3FB4]  }
0x2c: {  	s7 =	sld [smem:$0x3FB5]  }
0x2d: {  	s3 =	simm.s32 $0x108;
	s8 =	sld [smem:$0x3FB6]  }
0x2e: {  	s3 =	simm.s32 @!p0 $0x1082;
	s9 =	sld [smem:$0x3FB7]  }
0x2f: {  	lr =	sadd.s32 s0, s3;
	s0 =	sld [smem:$0x3FAE]  }
0x30: {  	s3 =	sld [smem:$0x3FB1]  }
0x31: {  	[smem:$0x3FBA] =	sst s10  }
0x32: {  	s10 =	sld [smem:$0x3FB8];
	_ =	sdelay $0x3  }
0x33: {  	p0 =	seq.s32 s10, $0x1;
	s10 =	sld [smem:$0x3FBA];
	_ =	sdelay $0x3  }
0x34: {  	[smem:$0x3FBA] =	sst s10  }
0x35: {  	s10 =	sld [smem:$0x3FB9];
	_ =	sdelay $0x3  }
0x36: {  	p1 =	seq.s32 s10, $0x1;
	s10 =	sld [smem:$0x3FBA];
	_ =	sdelay $0x3  }
0x37: {  	[smem:$0x3FBA] =	sst s10  }
0x38: {  	s10 =	sld [smem:$0x3FBB]  }
0x39: {  	_ = 	snop;
	(pc) =	sbr.ind lr, $3  }
0x3a: {  	_ = 	snop  }
0x3b: {  	_ = 	snop  }
0x3c: {  	p2 =	seq.s32 s10, $0x1;
	s10 =	sld [smem:$0x3FBA]  }
0x3d: {  	_ =	shalt  }
0x3e: {  	_ =	shalt  }
0x3f: {  	_ =	shalt  }
0x40: {  	_ =	shalt  }
0x41: {  	_ =	shalt  }
0x42: {  	_ =	shalt  }
0x43: {  	_ =	shalt  }
0x44: {  	_ =	shalt  }
0x45: {  	_ =	shalt  }
0x46: {  	_ =	shalt  }
0x47: {  	_ =	shalt  }
0x48: {  	_ =	shalt  }
0x49: {  	_ =	shalt  }
0x4a: {  	_ =	shalt  }
0x4b: {  	_ =	shalt  }
0x4c: {  	_ =	shalt  }
0x4d: {  	_ =	shalt  }
0x4e: {  	_ =	shalt  }
0x4f: {  	_ =	shalt  }
0x50: {  	_ =	shalt  }
0x51: {  	_ =	shalt  }
0x52: {  	_ =	shalt  }
0x53: {  	_ =	shalt  }
0x54: {  	_ =	shalt  }
0x55: {  	_ =	shalt  }
0x56: {  	_ =	shalt  }
0x57: {  	_ =	shalt  }
0x58: {  	_ =	shalt  }
0x59: {  	_ =	shalt  }
0x5a: {  	_ =	shalt  }
0x5b: {  	_ =	shalt  }
0x5c: {  	_ =	shalt  }
0x5d: {  	_ =	shalt  }
0x5e: {  	_ =	shalt  }
0x5f: {  	_ =	shalt  }
0x60: {  	_ =	shalt  }
0x61: {  	_ =	shalt  }
0x62: {  	_ =	shalt  }
0x63: {  	_ =	shalt  }
0x64: {  	_ =	shalt  }
0x65: {  	_ =	shalt  }
0x66: {  	_ =	shalt  }
0x67: {  	_ =	shalt  }
0x68: {  	_ =	shalt  }
0x69: {  	_ =	shalt  }
0x6a: {  	_ =	shalt  }
0x6b: {  	_ =	shalt  }
0x6c: {  	_ =	shalt  }
0x6d: {  	_ =	shalt  }
0x6e: {  	_ =	shalt  }
0x6f: {  	_ =	shalt  }
0x70: {  	_ =	shalt  }
0x71: {  	_ =	shalt  }
0x72: {  	_ =	shalt  }
0x73: {  	_ =	shalt  }
0x74: {  	_ =	shalt  }
0x75: {  	_ =	shalt  }
0x76: {  	_ =	shalt  }
0x77: {  	_ =	shalt  }
0x78: {  	_ =	shalt  }
0x79: {  	_ =	shalt  }
0x7a: {  	_ =	shalt  }
0x7b: {  	_ =	shalt  }
0x7c: {  	_ =	shalt  }
0x7d: {  	_ =	shalt  }
0x7e: {  	_ =	shalt  }
0x7f: {  	_ =	shalt  }
0x80: {  	_ =	shalt  }
0x81: {  	_ =	shalt  }
0x82: {  	_ =	shalt  }
0x83: {  	_ =	shalt  }
0x84: {  	_ =	shalt  }
0x85: {  	_ =	shalt  }
0x86: {  	_ =	shalt  }
0x87: {  	_ =	shalt  }
.Lfunc_end0:
.L_simem_size_0:
called_computation.1_lowered:
.L_overlay_start_0:
0x88: {  	s2 =	sld [smem:$0x3FD9]  }
0x89: {  	s3 =	sld [smem:$0x3FFE];
	_ =	sdelay $0x1  }
0x8a: {  	s1 =	srdreg.scid  }
0x8b: {  	s0 =	sand.u32 $0x1, s1  }
0x8c: {  	s17 =	sshll.u32 s0, $0xA;
	s2 =	sadd.s32 s3, s2  }
0x8d: {  	s2 =	sadd.s32 s2, s17  }
0x8e: {  	[smem:$0x3FC6] =	sst s2  }
0x8f: {  	_ = 	snop  }
0x90: {  	s2 =	sld [smem:$0x3FC9]  }
0x91: {  	s18 =	sld [smem:$0x3FD0];
	(tm) =	ssettm $0x1  }
0x92: {  	s4 =	sld [smem:$0x3FFB];
	_ =	sdelay $0x3  }
0x93: {  	_ =	strace s4  }
0x94: {  	s4 =	sld [smem:$0x3FFC];
	_ =	sdelay $0x3  }
0x95: {  	_ =	strace s4  }
0x96: {  	s4 =	sld [smem:$0x3FFD];
	_ =	sdelay $0x3  }
0x97: {  	_ =	strace s4  }
0x98: {  	_ =	strace $0x8FFFFFFF  }
0x99: {  	s19 =	sld [smem:$0x3FDB];
	_ =	sdelay $0x1  }
0x9a: {  	s5 =	simm.s32 $_scs_section_size  }
0x9b: {  	s6 =	simm.s32 $_size__tile_overlayer_lowered;
	s7 =	simm.s32 $_tile_overlayer_lowered  }
0x9c: {  	s22 =	simm.s32 $0x1BFF;
	s21 =	sshll.u32 s7, $0x1;
	s4 =	sadd.s32 s5, s19  }
0x9d: {  	s8 =	simm.s32 $0x0;
	s20 =	sshll.u32 s6, $0x1;
	s6 =	sadd.s32 s21, s4  }
0x9e: {  	[timem:s8], [sflag:s22] =	dma.local [hbm:s6], s20  }
0x9f: {  	_ =	swait.ge [sflag:s22], s20  }
0xa0: {  	s5 =	ssub.s32 $0x0, s20;
	[sflag:s22] =	ssyncset.done $0x0  }
0xa1: {  	[sflag:s22] =	ssyncadd.s32 s5;
	_ =	sdelay $0x1  }
0xa2: {  	s23 =	simm.s32 $0x1B8B  }
0xa3: {  	_ =	swait.ge [sflag:s23], $0x1  }
0xa4: {  	[sflag:s23] =	ssyncset.done $0x0  }
0xa5: {  	s25 =	simm.s32 $0x1B8E;
	s24 =	sld [smem:$0x3FFE];
	[sflag:s23] =	ssyncadd.s32 $0xFFFFFFFF  }
0xa6: {  	s26 =	simm.s32 $execute0_lowered;
	[smem:$0x3FD2] =	sst s25  }
0xa7: {  	s6 =	sshll.u32 s26, $0x1;
	_ =	strace $0x80000046;
	[dreg:$0x1] =	wrdreg $0xFFFFFFFF  }
0xa8: {  	s28 =	simm.s32 $_size_execute0_lowered;
	s4 =	sadd.s32 s4, s6;
	[dreg:$0x0] =	wrdreg $0x0  }
0xa9: {  	s6 =	sshll.u32 s28, $0x1;
	[dreg:$0x2] =	wrdreg s4  }
0xaa: {  	[dreg:$0x3] =	wrdreg s6  }
0xab: {  	[dreg:$0x4] =	wrdreg $0xC0  }
0xac: {  	_ =	task [dreg:s8], $0x5FFFF  }
0xad: {  	[dreg:$0x1] =	wrdreg $0xFFFFFFFF  }
0xae: {  	[dreg:$0x0] =	wrdreg $0x60  }
0xaf: {  	[dreg:$0x2] =	wrdreg s2  }
0xb0: {  	[dreg:$0x3] =	wrdreg s24  }
0xb1: {  	[dreg:$0x4] =	wrdreg s18  }
0xb2: {  	[dreg:$0x5] =	wrdreg $0x9  }
0xb3: {  	_ =	task.clear_ibuf [dreg:s8], $0x6FFFF;
	_ =	strace $0x90000046  }
0xb4: {  	s29 =	simm.s32 $0x9;
	_ =	strace $0x80000048  }
0xb5: {  	_ =	swait.ge [sflag:s29], $0x1  }
0xb6: {  	[sflag:s29] =	ssyncadd.s32 $0xFFFFFFFF  }
0xb7: {  	_ =	strace $0x90000048  }
0xb8: {  	_ =	sfence  }
0xb9: {  	s30 =	sld [smem:$0x0];
	_ =	sdelay $0x2  }
0xba: {  	s31 =	sshll.u32 s1, $0xD;
	s1 =	sshrl.u32 s1, $0x2  }
0xbb: {  	s3 =	sand.u32 $0x4000, s31;
	s1 =	sadd.s32 s1, s30  }
0xbc: {  	s0 =	sor.u32 s3, s0;
	s1 =	sshll.u32 s1, $0x11  }
0xbd: {  	s0 =	sor.u32 s1, s0  }
0xbe: {  	s0 =	sadd.s32 $0x8F2B, s0  }
0xbf: {  	[sflag:s0] =	ssyncadd.remote.s32 $0x1  }
0xc0: {  	_ =	sfence.sel $0xFFFF  }
0xc1: {  	[dreg:$0x0] =	wrdreg $0xFFFFFFFF;
	(pc) =	sbr.abs _section_cstart, $3  }
0xc2: {  	[dreg:$0x1] =	wrdreg $0xFFFFFFFF  }
0xc3: {  	_ =	task.clear_ibuf [dreg:s8], $0x2FFFF;
	_ =	strace $0x9FFFFFFF  }
0xc4: {  	(tm) =	ssettm $0x7FFFFFFF  }
0xc5: {  	_ =	shalt  }
tec
execute0_lowered:
.L_overlay_start_1:
0x0: {  	(tag) =	ssettag $0x1  }
0x1: {  	s7 =	rddreg [dreg:$0x0]  }
0x2: {  	s6 =	rddreg [dreg:$0x1]  }
0x3: {  	s1 =	rddreg [dreg:$0x2]  }
0x4: {  	s0 =	rddreg [dreg:$0x3]  }
0x5: {  	s3 =	simm.s32 $0x0;
	s4 =	srdreg.scid;
	s2 =	stileid.u32  }
0x6: {  	v0 =	vlaneseq.u32;
	s11 =	simm.s32 $0x400;
	s12 =	simm.s32 $0x8000;
	s13 =	simm.s32 $0xD0  }
0x7: {  	s14 =	simm.s32 $0x6400;
	s15 =	simm.s32 $0xCC00;
	s16 =	simm.s32 $0x10000;
	v1 =	vshrl.u32 v0, $0x3  }
0x8: {  	s17 =	simm.s32 $0x1;
	s18 =	simm.s32 $0x2;
	s19 =	simm.s32 $0x0;
	v2 =	vand.u32 $0x7, v0;
	v0 =	vmul.u32 $0x400, v1  }
0x9: {  	vm0 =	vmmov $0xff;
	[smem:$0x7FF] =	sst s3;
	s4 =	sand.u32 $0x1, s4;
	s5 =	sshll.u32 s2, $0x8  }
0xa: {  	_ =	strace $0x80000047;
	s8 =	ssub.s32 $0x2, s4;
	s9 =	sshll.u32 s4, $0x7;
	v1 =	vmul.u32 $0x80, v2;
	v2 =	vor.u32 $0x800, v0;
	v3 =	vor.u32 $0x1000, v0  }
0xb: {  	s4 =	sadd.s32 $0xF42C00, s6;
	s6 =	sadd.s32 $0x800, s6;
	s10 =	sshrl.u32 s8, $0x1;
	v4 =	vor.u32 $0x1800, v0;
	v5 =	vor.u32 $0x2000, v0;
	v6 =	vor.u32 $0x2800, v0  }
0xc: {  	s5 =	sor.u32 s9, s5;
	s9 =	simm.s32 $0x13400;
	s8 =	ssub.s32 s8, s10;
	v7 =	vor.u32 $0x3000, v0;
	v8 =	vor.u32 $0x3800, v0;
	v9 =	vor.u32 $0x4000, v0  }
0xd: {  	s7 =	sadd.s32 s7, s5;
	s10 =	simm.s32 $0x3;
	v10 =	vor.u32 $0x4800, v0;
	v11 =	vor.u32 $0x5000, v0;
	v12 =	vor.u32 $0x5800, v0;
	s8 =	smax.u32 s8, $0x1  }
.LBB2_1:
0xe: {  	[tilespmem:s9], [sflag:$0x3] =	stream.linear.gather [hbm4b:s6+s3], $0x1, $0x38;
	[tilespmem:$0x13410] =	vst v63  }
0xf: {  	v13 =	vor.u32 s3, v1;
	_ =	swait.ge [sflag:s10], $0x1  }
0x10: {  	v14 =	vand.u32 $0x3FF, v13;
	[sflag:s10] =	ssyncset.done $0x0  }
0x11: {  	v15 =	vor.u32 v0, v14;
	[sflag:s10] =	ssyncadd.s32 $0xFFFFFFFF  }
0x12: {  	v13 =	vld [tilespmem:$0x13400];
	[tilespmem:s3], [sflag:$0x3] =	stream.strided.gather [hbm4b:s7+s11], $0x6400, s12, s11, $0x38  }
0x13: {  	_ =	swait.ge [sflag:s10], $0x6400  }
0x14: {  	[sflag:s10] =	ssyncset.done $0x0  }
0x15: {  	[sflag:s10] =	ssyncadd.s32 $0xFFFF9C00  }
0x16: {  	v15 =	vld.idx.msk [tilespmem:v15+s3+$0x0], $0xffff  }
0x17: {  	v16 =	vor.u32 v2, v14;
	_ =	sdelay $0x2  }
0x18: {  	s20 =	simm.s32 $0x6460  }
0x19: {  	[tilespmem:s20+$0xFFFFFFA0] =	vst v15  }
0x1a: {  	v15 =	vld.idx.msk [tilespmem:v16+s3+$0x0], $0xffff  }
0x1b: {  	v16 =	vor.u32 v3, v14;
	_ =	sdelay $0x3  }
0x1c: {  	[tilespmem:s20+$0xFFFFFFB0] =	vst v15  }
0x1d: {  	v15 =	vld.idx.msk [tilespmem:v16+s3+$0x0], $0xffff  }
0x1e: {  	v16 =	vor.u32 v4, v14;
	_ =	sdelay $0x3  }
0x1f: {  	[tilespmem:s20+$0xFFFFFFC0] =	vst v15  }
0x20: {  	v15 =	vld.idx.msk [tilespmem:v16+s3+$0x0], $0xffff  }
0x21: {  	v16 =	vor.u32 v5, v14;
	_ =	sdelay $0x3  }
0x22: {  	[tilespmem:s20+$0xFFFFFFD0] =	vst v15  }
0x23: {  	v15 =	vld.idx.msk [tilespmem:v16+s3+$0x0], $0xffff  }
0x24: {  	v16 =	vor.u32 v6, v14;
	_ =	sdelay $0x3  }
0x25: {  	[tilespmem:s20+$0xFFFFFFE0] =	vst v15  }
0x26: {  	v15 =	vld.idx.msk [tilespmem:v16+s3+$0x0], $0xffff  }
0x27: {  	v16 =	vor.u32 v7, v14;
	_ =	sdelay $0x3  }
0x28: {  	[tilespmem:s20+$0xFFFFFFF0] =	vst v15  }
0x29: {  	v15 =	vld.idx.msk [tilespmem:v16+s3+$0x0], $0xffff  }
0x2a: {  	v16 =	vor.u32 v8, v14;
	_ =	sdelay $0x3  }
0x2b: {  	[tilespmem:s20+$0x0] =	vst v15  }
0x2c: {  	v15 =	vld.idx.msk [tilespmem:v16+s3+$0x0], $0xffff  }
0x2d: {  	v16 =	vor.u32 v9, v14;
	_ =	sdelay $0x3  }
0x2e: {  	[tilespmem:s20+$0x10] =	vst v15  }
0x2f: {  	v15 =	vld.idx.msk [tilespmem:v16+s3+$0x0], $0xffff  }
0x30: {  	v16 =	vor.u32 v10, v14;
	_ =	sdelay $0x3  }
0x31: {  	[tilespmem:s20+$0x20] =	vst v15  }
0x32: {  	v15 =	vld.idx.msk [tilespmem:v16+s3+$0x0], $0xffff  }
0x33: {  	v16 =	vor.u32 v11, v14;
	_ =	sdelay $0x3  }
0x34: {  	[tilespmem:s20+$0x30] =	vst v15  }
0x35: {  	v15 =	vld.idx.msk [tilespmem:v16+s3+$0x0], $0xffff  }
0x36: {  	v16 =	vor.u32 v12, v14;
	_ =	sdelay $0x3  }
0x37: {  	[tilespmem:s20+$0x40] =	vst v15  }
0x38: {  	v15 =	vld.idx.msk [tilespmem:v16+s3+$0x0], $0xffff  }
0x39: {  	v14 =	vor.u32 $0x6000, v14;
	_ =	sdelay $0x3  }
0x3a: {  	s21 =	simm.s32 $0x1;
	[tilespmem:s20+$0x50] =	vst v15  }
0x3b: {  	v15 =	vor.u32 s21, v1;
	s21 =	simm.s32 $0x2;
	v14 =	vld.idx.msk [tilespmem:v14+s3+$0x0], $0xffff  }
.LBB2_2:
0x3c: {  	p0 =	sne.s32 s21, $0x7F;
	v15 =	vand.u32 $0x3FF, v15  }
0x3d: {  	v16 =	vor.u32 v0, v15;
	_ =	sdelay $0x2  }
0x3e: {  	v14 =	vnsel vm0, $0x0, v14  }
0x3f: {  	[tilespmem:s20+$0x60] =	vst v14  }
0x40: {  	v14 =	vld.idx.msk [tilespmem:v16+s3+$0x0], $0xffff;
	_ =	sdelay $0x1  }
0x41: {  	v16 =	vor.u32 v2, v15;
	_ =	sdelay $0x2  }
0x42: {  	s20 =	sadd.s32 $0xD0, s20  }
0x43: {  	[tilespmem:s20+$0xFFFFFFA0] =	vst v14  }
0x44: {  	v14 =	vld.idx.msk [tilespmem:v16+s3+$0x0], $0xffff;
	_ =	sdelay $0x1  }
0x45: {  	v16 =	vor.u32 v3, v15;
	_ =	sdelay $0x3  }
0x46: {  	[tilespmem:s20+$0xFFFFFFB0] =	vst v14  }
0x47: {  	v14 =	vld.idx.msk [tilespmem:v16+s3+$0x0], $0xffff;
	_ =	sdelay $0x1  }
0x48: {  	v16 =	vor.u32 v4, v15;
	_ =	sdelay $0x3  }
0x49: {  	[tilespmem:s20+$0xFFFFFFC0] =	vst v14  }
0x4a: {  	v14 =	vld.idx.msk [tilespmem:v16+s3+$0x0], $0xffff;
	_ =	sdelay $0x1  }
0x4b: {  	v16 =	vor.u32 v5, v15;
	_ =	sdelay $0x3  }
0x4c: {  	[tilespmem:s20+$0xFFFFFFD0] =	vst v14  }
0x4d: {  	v14 =	vld.idx.msk [tilespmem:v16+s3+$0x0], $0xffff;
	_ =	sdelay $0x1  }
0x4e: {  	v16 =	vor.u32 v6, v15;
	_ =	sdelay $0x3  }
0x4f: {  	[tilespmem:s20+$0xFFFFFFE0] =	vst v14  }
0x50: {  	v14 =	vld.idx.msk [tilespmem:v16+s3+$0x0], $0xffff;
	_ =	sdelay $0x1  }
0x51: {  	v16 =	vor.u32 v7, v15;
	_ =	sdelay $0x3  }
0x52: {  	[tilespmem:s20+$0xFFFFFFF0] =	vst v14  }
0x53: {  	v14 =	vld.idx.msk [tilespmem:v16+s3+$0x0], $0xffff;
	_ =	sdelay $0x1  }
0x54: {  	v16 =	vor.u32 v8, v15;
	_ =	sdelay $0x3  }
0x55: {  	[tilespmem:s20+$0x0] =	vst v14  }
0x56: {  	v14 =	vld.idx.msk [tilespmem:v16+s3+$0x0], $0xffff;
	_ =	sdelay $0x1  }
0x57: {  	v16 =	vor.u32 v9, v15;
	_ =	sdelay $0x3  }
0x58: {  	[tilespmem:s20+$0x10] =	vst v14  }
0x59: {  	v14 =	vld.idx.msk [tilespmem:v16+s3+$0x0], $0xffff;
	_ =	sdelay $0x1  }
0x5a: {  	v16 =	vor.u32 v10, v15;
	_ =	sdelay $0x3  }
0x5b: {  	[tilespmem:s20+$0x20] =	vst v14  }
0x5c: {  	v14 =	vld.idx.msk [tilespmem:v16+s3+$0x0], $0xffff;
	_ =	sdelay $0x1  }
0x5d: {  	v16 =	vor.u32 v11, v15;
	_ =	sdelay $0x3  }
0x5e: {  	[tilespmem:s20+$0x30] =	vst v14  }
0x5f: {  	v14 =	vld.idx.msk [tilespmem:v16+s3+$0x0], $0xffff;
	_ =	sdelay $0x1  }
0x60: {  	v16 =	vor.u32 v12, v15;
	_ =	sdelay $0x3  }
0x61: {  	[tilespmem:s20+$0x40] =	vst v14  }
0x62: {  	v14 =	vld.idx.msk [tilespmem:v16+s3+$0x0], $0xffff;
	_ =	sdelay $0x1  }
0x63: {  	v15 =	vor.u32 $0x6000, v15;
	_ =	sdelay $0x1  }
.Ltmp0:
0x64: {  	(pc) =	sbr.rel @p0 .LBB2_2-.Ltmp0, $4  }
0x65: {  	_ = 	snop  }
0x66: {  	[tilespmem:s20+$0x50] =	vst v14  }
0x67: {  	v14 =	vld.idx.msk [tilespmem:v15+s3+$0x0], $0xffff  }
0x68: {  	v15 =	vor.u32 s21, v1;
	s21 =	sadd.s32 $0x1, s21  }
0x69: {  	v15 =	vand.u32 $0x3FF, v15  }
0x6a: {  	v16 =	vor.u32 v0, v15;
	_ =	sdelay $0x2  }
0x6b: {  	v14 =	vnsel vm0, $0x0, v14  }
0x6c: {  	[tilespmem:s20+$0x60] =	vst v14  }
0x6d: {  	v14 =	vld.idx.msk [tilespmem:v16+s3+$0x0], $0xffff  }
0x6e: {  	v53 =	vor.u32 v2, v15;
	_ =	sdelay $0x2  }
0x6f: {  	s31 =	sadd.s32 $0xD0, s20  }
0x70: {  	[tilespmem:s31+$0xFFFFFFA0] =	vst v14  }
0x71: {  	v14 =	vld.idx.msk [tilespmem:v53+s3+$0x0], $0xffff  }
0x72: {  	v54 =	vor.u32 v3, v15;
	_ =	sdelay $0x3  }
0x73: {  	[tilespmem:s31+$0xFFFFFFB0] =	vst v14  }
0x74: {  	v14 =	vld.idx.msk [tilespmem:v54+s3+$0x0], $0xffff  }
0x75: {  	v55 =	vor.u32 v4, v15;
	_ =	sdelay $0x3  }
0x76: {  	[tilespmem:s31+$0xFFFFFFC0] =	vst v14  }
0x77: {  	v14 =	vld.idx.msk [tilespmem:v55+s3+$0x0], $0xffff  }
0x78: {  	v56 =	vor.u32 v5, v15;
	_ =	sdelay $0x3  }
0x79: {  	[tilespmem:s31+$0xFFFFFFD0] =	vst v14  }
0x7a: {  	v14 =	vld.idx.msk [tilespmem:v56+s3+$0x0], $0xffff  }
0x7b: {  	v57 =	vor.u32 v6, v15;
	_ =	sdelay $0x3  }
0x7c: {  	[tilespmem:s31+$0xFFFFFFE0] =	vst v14  }
0x7d: {  	v14 =	vld.idx.msk [tilespmem:v57+s3+$0x0], $0xffff  }
0x7e: {  	v58 =	vor.u32 v7, v15;
	_ =	sdelay $0x3  }
0x7f: {  	[tilespmem:s31+$0xFFFFFFF0] =	vst v14  }
0x80: {  	v14 =	vld.idx.msk [tilespmem:v58+s3+$0x0], $0xffff  }
0x81: {  	v59 =	vor.u32 v8, v15;
	_ =	sdelay $0x3  }
0x82: {  	[tilespmem:s31+$0x0] =	vst v14  }
0x83: {  	v14 =	vld.idx.msk [tilespmem:v59+s3+$0x0], $0xffff  }
0x84: {  	v60 =	vor.u32 v9, v15;
	_ =	sdelay $0x3  }
0x85: {  	[tilespmem:s31+$0x10] =	vst v14  }
0x86: {  	v14 =	vld.idx.msk [tilespmem:v60+s3+$0x0], $0xffff  }
0x87: {  	v61 =	vor.u32 v10, v15;
	_ =	sdelay $0x3  }
0x88: {  	[tilespmem:s31+$0x20] =	vst v14  }
0x89: {  	v14 =	vld.idx.msk [tilespmem:v61+s3+$0x0], $0xffff  }
0x8a: {  	v62 =	vor.u32 v11, v15;
	_ =	sdelay $0x3  }
0x8b: {  	[tilespmem:s31+$0x30] =	vst v14  }
0x8c: {  	v14 =	vld.idx.msk [tilespmem:v62+s3+$0x0], $0xffff  }
0x8d: {  	v63 =	vor.u32 v12, v15;
	_ =	sdelay $0x3  }
0x8e: {  	[tilespmem:s31+$0x40] =	vst v14  }
0x8f: {  	v14 =	vld.idx.msk [tilespmem:v63+s3+$0x0], $0xffff  }
0x90: {  	v15 =	vor.u32 $0x6000, v15;
	_ =	sdelay $0x3  }
0x91: {  	[tilespmem:s31+$0x50] =	vst v14  }
0x92: {  	v14 =	vld.idx.msk [tilespmem:v15+s3+$0x0], $0xffff;
	_ =	sdelay $0x4  }
0x93: {  	v14 =	vnsel vm0, $0x0, v14  }
0x94: {  	v13 =	vbroadcast v13, $0x0;
	s21 =	simm.s32 $0x0;
	[tilespmem:s31+$0x60] =	vst v14  }
0x95: {  	[tilespmem:s15], [sflag:$0x1] =	stream.indirect.gather [hbm4b:s4+s13], $0x40, s14, s13, $0xb8;
	[tilespmem:$0x13410] =	vst v63  }
.LBB2_4:
0x96: {  	s20 =	sshllo.u32 s21, $0x1  }
0x97: {  	s22 =	smul.u32 $0x340, s20;
	_ =	sdelay $0x1  }
0x98: {  	s22 =	sshra.s32 s22, $0x2  }
0x99: {  	s22 =	sadd.s32 $0x6400, s22  }
0x9a: {  	[tilespmem:s16], [sflag:$0x2] =	stream.indirect.gather [hbm4b:s4+s13], $0x40, s22, s13, $0xb8;
	[tilespmem:$0x13410] =	vst v63  }
0x9b: {  	_ =	swait.ge [sflag:s17], $0x3400  }
0x9c: {  	[sflag:s17] =	ssyncset.done $0x0  }
0x9d: {  	s22 =	simm.s32 $0xCC40;
	[sflag:s17] =	ssyncadd.s32 $0xFFFFCC00  }
0x9e: {  	v15 =	vld [tilespmem:s22+$0xFFFFFFC0];
	_ =	sdelay $0x1  }
0x9f: {  	v18 =	vld [tilespmem:s22+$0xFFFFFFD0]  }
0xa0: {  	v20 =	vld [tilespmem:s22+$0xFFFFFFE0]  }
0xa1: {  	v16 =	vld [tilespmem:s22+$0x0]  }
0xa2: {  	v14 =	vld [tilespmem:s22+$0x10];
	v19 =	vmul.f32 v15, v13  }
0xa3: {  	v17 =	vld [tilespmem:s22+$0x20]  }
0xa4: {  	v15 =	vld [tilespmem:s22+$0x30];
	[tilespmem:s22+$0xFFFFFFC0] =	vst v19;
	v19 =	vmul.f32 v18, v13  }
0xa5: {  	s23 =	sshll.u32 s21, $0x1;
	s24 =	simm.s32 $0x0;
	s25 =	simm.s32 $0xCCC0;
	v20 =	vmul.f32 v20, v13;
	v18 =	vld [tilespmem:s22+$0xFFFFFFF0]  }
.LBB2_5:
0xa6: {  	v21 =	vld [tilespmem:s25+$0xFFFFFFC0];
	[tilespmem:s22+$0xFFFFFFD0] =	vst v19;
	v16 =	vmul.f32 v16, v13  }
0xa7: {  	s24 =	sadd.s32 $0x2, s24;
	v19 =	vld [tilespmem:s25+$0xFFFFFFD0];
	[tilespmem:s22+$0xFFFFFFE0] =	vst v20;
	v14 =	vmul.f32 v14, v13  }
0xa8: {  	p0 =	slt.u32 s24, $0xCE;
	v20 =	vld [tilespmem:s25+$0xFFFFFFE0];
	[tilespmem:s22+$0x0] =	vst v16;
	v17 =	vmul.f32 v17, v13  }
.Ltmp1:
0xa9: {  	v16 =	vld [tilespmem:s25+$0x0];
	[tilespmem:s22+$0x10] =	vst v14;
	v15 =	vmul.f32 v15, v13;
	(pc) =	sbr.rel @p0 .LBB2_5-.Ltmp1, $4  }
0xaa: {  	v14 =	vld [tilespmem:s25+$0x10];
	v18 =	vmul.f32 v18, v13;
	[tilespmem:s22+$0x20] =	vst v17  }
0xab: {  	v21 =	vmul.f32 v21, v13;
	v17 =	vld [tilespmem:s25+$0x20];
	[tilespmem:s22+$0x30] =	vst v15  }
0xac: {  	v19 =	vmul.f32 v19, v13;
	v15 =	vld [tilespmem:s25+$0x30];
	[tilespmem:s22+$0xFFFFFFF0] =	vst v18;
	s22 =	smov.u32 s25  }
0xad: {  	s25 =	sadd.s32 $0x80, s25;
	[tilespmem:s22+$0xFFFFFFC0] =	vst v21;
	v20 =	vmul.f32 v20, v13;
	v18 =	vld [tilespmem:s22+$0xFFFFFFF0]  }
0xae: {  	[tilespmem:s22+$0xFFFFFFD0] =	vst v19;
	v16 =	vmul.f32 v16, v13  }
0xaf: {  	[tilespmem:s22+$0xFFFFFFE0] =	vst v20;
	v14 =	vmul.f32 v14, v13  }
0xb0: {  	[tilespmem:s22+$0x0] =	vst v16;
	v16 =	vmul.f32 v17, v13  }
0xb1: {  	s23 =	sadd.s32 s5, s23;
	[tilespmem:s22+$0x10] =	vst v14;
	v14 =	vmul.f32 v15, v13  }
0xb2: {  	s23 =	smul.u32 $0x640, s23;
	v15 =	vmul.f32 v18, v13;
	[tilespmem:s22+$0x20] =	vst v16  }
0xb3: {  	p0 =	seq.s32 s21, $0x3F;
	[tilespmem:s22+$0x30] =	vst v14  }
0xb4: {  	s31 =	sadd.s32 s1, s23;
	[tilespmem:s22+$0xFFFFFFF0] =	vst v15;
	s22 =	smul.u32 @!p0 $0x680, s21  }
0xb5: {  	[hbm4b:s31+s3] =	stream.linear.scatter [tilespmem:s15], [sflag:$0x3], $0x3200, $0x38;
	[tilespmem:$0x13410] =	vst v63  }
0xb6: {  	_ =	swait.ge [sflag:s10], $0x3200  }
0xb7: {  	s24 =	simm.s32 @!p0 $0xCC00;
	s22 =	sshra.s32 @!p0 s22, $0x2;
	[sflag:s10] =	ssyncset.done $0x0  }
0xb8: {  	s23 =	simm.s32 @!p0 $0xD0;
	s22 =	sadd.s32 @!p0 $0x65A0, s22;
	[sflag:s10] =	ssyncadd.s32 $0xFFFFCE00  }
0xb9: {  	[tilespmem:s24], [sflag:$0x1] =	stream.indirect.gather @!p0 [hbm4b:s4+s23], $0x40, s22, s23, $0xb8;
	[tilespmem:$0x13410] =	vst v63  }
0xba: {  	_ =	swait.ge [sflag:s18], $0x3400  }
0xbb: {  	[sflag:s18] =	ssyncset.done $0x0  }
0xbc: {  	s22 =	simm.s32 $0x10040;
	[sflag:s18] =	ssyncadd.s32 $0xFFFFCC00  }
0xbd: {  	v15 =	vld [tilespmem:s22+$0xFFFFFFC0];
	_ =	sdelay $0x1  }
0xbe: {  	v18 =	vld [tilespmem:s22+$0xFFFFFFD0]  }
0xbf: {  	v20 =	vld [tilespmem:s22+$0xFFFFFFE0]  }
0xc0: {  	v16 =	vld [tilespmem:s22+$0x0]  }
0xc1: {  	v14 =	vld [tilespmem:s22+$0x10];
	v19 =	vmul.f32 v15, v13  }
0xc2: {  	v17 =	vld [tilespmem:s22+$0x20]  }
0xc3: {  	v15 =	vld [tilespmem:s22+$0x30];
	[tilespmem:s22+$0xFFFFFFC0] =	vst v19;
	v19 =	vmul.f32 v18, v13  }
0xc4: {  	s21 =	sadd.s32 $0x1, s21;
	s23 =	simm.s32 $0x0;
	s24 =	simm.s32 $0x100C0;
	v20 =	vmul.f32 v20, v13;
	v18 =	vld [tilespmem:s22+$0xFFFFFFF0]  }
.LBB2_7:
0xc5: {  	v21 =	vld [tilespmem:s24+$0xFFFFFFC0];
	[tilespmem:s22+$0xFFFFFFD0] =	vst v19;
	v16 =	vmul.f32 v16, v13  }
0xc6: {  	s23 =	sadd.s32 $0x2, s23;
	v19 =	vld [tilespmem:s24+$0xFFFFFFD0];
	[tilespmem:s22+$0xFFFFFFE0] =	vst v20;
	v14 =	vmul.f32 v14, v13  }
0xc7: {  	p0 =	slt.u32 s23, $0xCE;
	v20 =	vld [tilespmem:s24+$0xFFFFFFE0];
	[tilespmem:s22+$0x0] =	vst v16;
	v17 =	vmul.f32 v17, v13  }
.Ltmp2:
0xc8: {  	v16 =	vld [tilespmem:s24+$0x0];
	[tilespmem:s22+$0x10] =	vst v14;
	v15 =	vmul.f32 v15, v13;
	(pc) =	sbr.rel @p0 .LBB2_7-.Ltmp2, $4  }
0xc9: {  	v14 =	vld [tilespmem:s24+$0x10];
	v18 =	vmul.f32 v18, v13;
	[tilespmem:s22+$0x20] =	vst v17  }
0xca: {  	v21 =	vmul.f32 v21, v13;
	v17 =	vld [tilespmem:s24+$0x20];
	[tilespmem:s22+$0x30] =	vst v15  }
0xcb: {  	v19 =	vmul.f32 v19, v13;
	v15 =	vld [tilespmem:s24+$0x30];
	[tilespmem:s22+$0xFFFFFFF0] =	vst v18;
	s22 =	smov.u32 s24  }
0xcc: {  	s24 =	sadd.s32 $0x80, s24;
	[tilespmem:s22+$0xFFFFFFC0] =	vst v21;
	v20 =	vmul.f32 v20, v13;
	v18 =	vld [tilespmem:s22+$0xFFFFFFF0]  }
0xcd: {  	[tilespmem:s22+$0xFFFFFFD0] =	vst v19;
	v16 =	vmul.f32 v16, v13  }
0xce: {  	[tilespmem:s22+$0xFFFFFFE0] =	vst v20;
	v14 =	vmul.f32 v14, v13  }
0xcf: {  	[tilespmem:s22+$0x0] =	vst v16;
	v63 =	vmul.f32 v17, v13  }
0xd0: {  	s20 =	sadd.s32 s5, s20;
	[tilespmem:s22+$0x10] =	vst v14;
	v14 =	vmul.f32 v15, v13  }
0xd1: {  	s20 =	smul.u32 $0x640, s20;
	v15 =	vmul.f32 v18, v13;
	[tilespmem:s22+$0x20] =	vst v63  }
0xd2: {  	p0 =	sne.s32 s21, $0x40;
	[tilespmem:s22+$0x30] =	vst v14  }
.Ltmp3:
0xd3: {  	s20 =	sadd.s32 s1, s20;
	[tilespmem:s22+$0xFFFFFFF0] =	vst v15;
	(pc) =	sbr.rel @p0 .LBB2_4-.Ltmp3, $4  }
0xd4: {  	[hbm4b:s20+s3] =	stream.linear.scatter [tilespmem:s16], [sflag:$0x3], $0x3200, $0x38;
	[tilespmem:$0x13410] =	vst v63  }
0xd5: {  	_ =	swait.ge [sflag:s10], $0x3200  }
0xd6: {  	[sflag:s10] =	ssyncset.done $0x0  }
0xd7: {  	[sflag:s10] =	ssyncadd.s32 $0xFFFFCE00  }
0xd8: {  	s19 =	sadd.s32 $0x1, s19  }
0xd9: {  	p0 =	sne.s32 s19, s8  }
.Ltmp4:
0xda: {  	_ = 	snop;
	(pc) =	sbr.rel @p0 .LBB2_1-.Ltmp4, $1  }
0xdb: {  	_ =	sdelay $0x3  }
0xdc: {  	_ =	sfence.sel $0x180000  }
0xdd: {  	[bflag:$0x0] =	sbarrier.arrive $0xFFFF  }
0xde: {  	p0 =	sne.s32 s2, $0x0;
	_ =	strace $0x90000047  }
0xdf: {  	s0 =	sadd.s32 @!p0 $0x100000, s0;
	[bflag:$0x2] =	sbarrier.arrive $0xFFFF  }
0xe0: {  	[sflag:s0] =	ssyncadd.tile.s32 @!p0 $0x1;
	_ =	shalt  }
.Lfunc_end2:
_tile_overlayer_lowered:
.L_overlay_start_2:
0xe1: {  	(tag) =	ssettag $0x2  }
0xe2: {  	s0 =	rddreg [dreg:$0x0];
	s2 =	stileid.u32  }
0xe3: {  	s1 =	rddreg [dreg:$0x1];
	p0 =	sne.s32 s2, $0x0  }
0xe4: {  	s3 =	rddreg [dreg:$0x2];
	[bflag:$0x3] =	sbarrier.arrive $0xFFFF;
	s2 =	simm.s32 @!p0 $0x1C03  }
0xe5: {  	[timem:s3], [sflag:s2] =	dma.local @!p0 [hbm:s0], s1  }
0xe6: {  	s0 =	simm.s32 @!p0 $0x3  }
0xe7: {  	_ =	swait.ge @!p0 [sflag:s0], s1  }
0xe8: {  	s1 =	ssub.s32 @!p0 $0x0, s1;
	[sflag:s0] =	ssyncset.done @!p0 $0x0  }
0xe9: {  	[sflag:s0] =	ssyncadd.s32 @!p0 s1  }
0xea: {  	[bflag:$0x3] =	sbarrier.arrive $0xFFFF  }
0xeb: {  	_ =	shalt  }

// kernel: sparse-core-data-format-call.cloned.1.call-start
scs
called_computation_lowered:
.L_overlay_start_0:
0x0: {  	s2 =	sld [smem:$0x3FD9]  }
0x1: {  	s3 =	sld [smem:$0x3FFE];
	_ =	sdelay $0x1  }
0x2: {  	s1 =	srdreg.scid  }
0x3: {  	s0 =	sand.u32 $0x1, s1  }
0x4: {  	s18 =	sshll.u32 s0, $0xA;
	s2 =	sadd.s32 s3, s2  }
0x5: {  	s2 =	sadd.s32 s2, s18  }
0x6: {  	[smem:$0x3FC6] =	sst s2  }
0x7: {  	_ = 	snop  }
0x8: {  	s2 =	sld [smem:$0x3FD0];
	(tm) =	ssettm $0x1  }
0x9: {  	s19 =	sld [smem:$0x3FFB];
	_ =	sdelay $0x3  }
0xa: {  	_ =	strace s19  }
0xb: {  	s3 =	sld [smem:$0x3FFC];
	_ =	sdelay $0x3  }
0xc: {  	_ =	strace s3  }
0xd: {  	s3 =	sld [smem:$0x3FFD];
	_ =	sdelay $0x3  }
0xe: {  	_ =	strace s3  }
0xf: {  	_ =	strace $0x8FFFFFFF  }
0x10: {  	s20 =	sld [smem:$0x3FDB];
	_ =	sdelay $0x1  }
0x11: {  	s4 =	simm.s32 $_scs_section_size  }
0x12: {  	s5 =	simm.s32 $_size__tile_overlayer_lowered;
	s6 =	simm.s32 $_tile_overlayer_lowered  }
0x13: {  	s23 =	simm.s32 $0x1BFF;
	s22 =	sshll.u32 s6, $0x1;
	s3 =	sadd.s32 s4, s20  }
0x14: {  	s7 =	simm.s32 $0x0;
	s21 =	sshll.u32 s5, $0x1;
	s5 =	sadd.s32 s22, s3  }
0x15: {  	[timem:s7], [sflag:s23] =	dma.local [hbm:s5], s21  }
0x16: {  	_ =	swait.ge [sflag:s23], s21  }
0x17: {  	s4 =	ssub.s32 $0x0, s21;
	[sflag:s23] =	ssyncset.done $0x0  }
0x18: {  	[sflag:s23] =	ssyncadd.s32 s4;
	_ =	sdelay $0x1  }
0x19: {  	s24 =	simm.s32 $0x1B8B  }
0x1a: {  	_ =	swait.ge [sflag:s24], $0x1  }
0x1b: {  	[sflag:s24] =	ssyncset.done $0x0  }
0x1c: {  	s26 =	simm.s32 $0x1B8E;
	s25 =	sld [smem:$0x3FFE];
	[sflag:s24] =	ssyncadd.s32 $0xFFFFFFFF  }
0x1d: {  	s27 =	simm.s32 $execute0_lowered;
	[smem:$0x3FD2] =	sst s26  }
0x1e: {  	s5 =	sshll.u32 s27, $0x1;
	_ =	strace $0x80000049;
	[dreg:$0x1] =	wrdreg $0xFFFFFFFF  }
0x1f: {  	s28 =	simm.s32 $_size_execute0_lowered;
	s3 =	sadd.s32 s3, s5;
	[dreg:$0x0] =	wrdreg $0x0  }
0x20: {  	s5 =	sshll.u32 s28, $0x1;
	[dreg:$0x2] =	wrdreg s3  }
0x21: {  	[dreg:$0x3] =	wrdreg s5  }
0x22: {  	[dreg:$0x4] =	wrdreg $0xC0  }
0x23: {  	_ =	task [dreg:s7], $0x5FFFF  }
0x24: {  	[dreg:$0x1] =	wrdreg $0xFFFFFFFF  }
0x25: {  	[dreg:$0x0] =	wrdreg $0x60  }
0x26: {  	[dreg:$0x2] =	wrdreg s25  }
0x27: {  	[dreg:$0x3] =	wrdreg s2  }
0x28: {  	[dreg:$0x4] =	wrdreg $0x9  }
0x29: {  	_ =	task.clear_ibuf [dreg:s7], $0x5FFFF;
	_ =	strace $0x90000049  }
0x2a: {  	s29 =	simm.s32 $0x9;
	_ =	strace $0x8000004B  }
0x2b: {  	_ =	swait.ge [sflag:s29], $0x1  }
0x2c: {  	[sflag:s29] =	ssyncadd.s32 $0xFFFFFFFF  }
0x2d: {  	_ =	strace $0x9000004B  }
0x2e: {  	_ =	sfence  }
0x2f: {  	s30 =	sld [smem:$0x0];
	_ =	sdelay $0x2  }
0x30: {  	s31 =	sshll.u32 s1, $0xD;
	s1 =	sshrl.u32 s1, $0x2  }
0x31: {  	s3 =	sand.u32 $0x4000, s31;
	s1 =	sadd.s32 s1, s30  }
0x32: {  	s0 =	sor.u32 s3, s0;
	s1 =	sshll.u32 s1, $0x11  }
0x33: {  	s0 =	sor.u32 s1, s0  }
0x34: {  	s0 =	sadd.s32 $0x8F2B, s0  }
0x35: {  	[sflag:s0] =	ssyncadd.remote.s32 $0x1  }
0x36: {  	_ =	sfence.sel $0xFFFF  }
0x37: {  	[dreg:$0x0] =	wrdreg $0xFFFFFFFF;
	(pc) =	sbr.abs _section_cstart, $3  }
0x38: {  	[dreg:$0x1] =	wrdreg $0xFFFFFFFF  }
0x39: {  	_ =	task.clear_ibuf [dreg:s7], $0x2FFFF;
	_ =	strace $0x9FFFFFFF  }
0x3a: {  	(tm) =	ssettm $0x7FFFFFFF  }
0x3b: {  	_ =	shalt  }
tec
execute0_lowered:
.L_overlay_start_1:
0x0: {  	(tag) =	ssettag $0x1  }
0x1: {  	s0 =	srdreg.scid  }
0x2: {  	s1 =	sshll.u32 s0, $0x4  }
0x3: {  	s0 =	stileid.u32;
	s1 =	sand.u32 $0x10, s1  }
0x4: {  	s1 =	sor.u32 s0, s1  }
0x5: {  	s6 =	rddreg [dreg:$0x0];
	s4 =	simm.s32 $0x1;
	s2 =	sshll.u32 s1, $0x7  }
0x6: {  	s7 =	simm.s32 $0x2;
	s12 =	simm.s32 $0x0;
	s1 =	ssub.s32 $0x1000, s2  }
0x7: {  	s8 =	simm.s32 $0x8000;
	s13 =	simm.s32 $0x0;
	s3 =	sand.u32 $0xF80, s1  }
0x8: {  	s9 =	simm.s32 $0x0;
	s5 =	sshrl.u32 s1, $0xC;
	p0 =	sne.s32 s3, $0x0  }
.Ltmp0:
0x9: {  	s1 =	rddreg [dreg:$0x2];
	s4 =	simm.s32 @!p0 $0x0;
	(pc) =	sbr.rel .LBB1_1-.Ltmp0, $4  }
0xa: {  	s11 =	simm.s32 $0x0;
	s3 =	rddreg [dreg:$0x1];
	s5 =	sadd.s32 s4, s5  }
0xb: {  	_ =	strace $0x8000004A;
	s4 =	simm.s32 $0x1;
	s5 =	smul.u32 $0xC8, s5  }
0xc: {  	s6 =	sadd.s32 $0x800, s6;
	s10 =	smov.u32 s2;
	[sflag:s4] =	ssyncpa.u1 $0x0  }
0xd: {  	p0 =	por $0x0, $0x0;
	[sflag:s7] =	ssyncpa.u1 $0x0;
	s7 =	sor.u32 $0x1, s5  }
.LBB1_4:
0xe: {  	s16 =	sshll.u32 s13, $0x3;
	s17 =	sand.u32 $0x78, s13  }
0xf: {  	s30 =	sand.u32 $0x7E00, s13;
	s12 =	sshll.u32 s12, $0xF;
	s16 =	sand.u32 $0xC00, s16  }
0x10: {  	[tilespmem:s15+$0x810 ss:$0x81] =	vst.msk $0xffff, v2;
	s31 =	sand.u32 $0x7, s13;
	s16 =	sor.u32 s17, s16;
	s17 =	sadd.s32 s3, s30  }
0x11: {  	[tilespmem:s15+$0x1020 ss:$0x81] =	vst.msk $0xffff, v0;
	s13 =	sshll.u32 s31, $0x12;
	s12 =	sadd.s32 s12, s17;
	s16 =	sshrl.u32 s16, $0x3  }
0x12: {  	[tilespmem:s15+$0x0 ss:$0x81] =	vst.msk $0xffff, v1;
	s13 =	sor.u32 $0x400, s13;
	s12 =	sadd.s32 s16, s12  }
0x13: {  	[hbm4b:s12+s13] =	stream.strided.scatter [tilespmem:s14], [sflag:$0x2], $0x2000, s8, s13, $0x20;
	[tilespmem:$0x8080] =	vst v63  }
.LBB1_5:
0x14: {  	s14 =	sadd.s32 $0x1, s9  }
0x15: {  	s12 =	sadd.s32 $0x1000, s10;
	s16 =	smov.u32 s10;
	p2 =	sgt.s32 s14, $0xC7  }
0x16: {  	s16 =	smov.u32 @p2 s12  }
0x17: {  	s14 =	simm.s32 @p2 $0x0;
	p2 =	sgt.s32 s16, $0xFFF  }
0x18: {  	s16 =	smov.u32 @p2 s2;
	p2 =	sne.s32 s11, s7  }
.Ltmp1:
0x19: {  	p1 =	slt.u32 s11, $0x2;
	(pc) =	sbr.rel @!p2 .LBB1_6-.Ltmp1, $4  }
0x1a: {  	s15 =	simm.s32 @!p1 $0x2  }
0x1b: {  	s13 =	smov.u32 s10;
	p0 =	por !p0, !p0;
	_ =	swait.ge @!p1 [sflag:s15], $0x2000  }
0x1c: {  	s12 =	smov.u32 s9;
	[sflag:s15] =	ssyncset.done @!p1 $0x0;
	s9 =	smov.u32 s14  }
0x1d: {  	s11 =	sadd.s32 $0x1, s11;
	[sflag:s15] =	ssyncadd.s32 @!p1 $0xFFFFE000;
	s10 =	smov.u32 s16  }
.LBB1_1:
0x1e: {  	p1 =	sge.u32 s11, s5  }
0x1f: {  	s14 =	sand.u32 @!p1 $0x1FFFFFF, s9  }
0x20: {  	s15 =	smulhi.u32 @!p1 $0x147AE15, s14;
	_ =	sdelay $0x1  }
0x21: {  	s15 =	smul.u32 @!p1 $0xC8, s15  }
0x22: {  	s16 =	sxor.u32 @!p1 $0xFFFFFFFF, s11;
	s17 =	smul.u32 @!p1 $0xC80, s10  }
0x23: {  	s31 =	sadd.s32 $0xFFFFFFFF, s11;
	s16 =	sshll.u32 @!p1 s16, $0xD;
	s14 =	ssub.s32 @!p1 s14, s15  }
0x24: {  	s15 =	sand.u32 @!p1 $0x2000, s16;
	s16 =	sadd.s32 @!p1 s6, s17;
	s14 =	sshll.u32 @!p1 s14, $0x4  }
0x25: {  	s17 =	simm.s32 @!p1 $0x6400;
	s14 =	sadd.s32 @!p1 s14, s16;
	s16 =	simm.s32 @!p1 $0x40  }
0x26: {  	[tilespmem:s15], [sflag:$0x1] =	stream.strided.gather @!p1 [hbm4b:s14+s16], $0x2000, s17, s16, $0x38;
	[tilespmem:$0x8080] =	vst v63  }
0x27: {  	p1 =	sge.u32 s31, s5  }
.Ltmp2:
0x28: {  	_ = 	snop;
	(pc) =	sbr.rel @p1 .LBB1_5-.Ltmp2, $1  }
0x29: {  	_ =	sdelay $0x3  }
0x2a: {  	s14 =	simm.s32 $0x1  }
0x2b: {  	_ =	swait.ge [sflag:s4], $0x2000;
	s14 =	simm.s32 @!p0 $0x0  }
0x2c: {  	[sflag:s4] =	ssyncset.done $0x0;
	s15 =	sshll.u32 s14, $0xD  }
0x2d: {  	[sflag:s4] =	ssyncadd.s32 $0xFFFFE000;
	s18 =	sor.u32 $0x20, s15  }
0x2e: {  	s14 =	smul.u32 $0x8100, s14;
	v3 =	vld [tilespmem:s18+$0x10]  }
0x2f: {  	s30 =	sand.u32 $0x1, s11;
	v2 =	vld [tilespmem:s18+$0xFFFFFFF0]  }
0x30: {  	s15 =	smul.u32 $0x8100, s30;
	s14 =	sshrl.u32 s14, $0x2;
	v0 =	vld [tilespmem:s18+$0x0]  }
0x31: {  	v1 =	vld [tilespmem:s18+$0xFFFFFFE0];
	s16 =	sor.u32 $0x4000, s14  }
0x32: {  	s31 =	sshrl.u32 s15, $0x2;
	s15 =	sadd.s32 $0x0, s16  }
0x33: {  	s17 =	simm.s32 $0x4;
	s18 =	sadd.s32 $0x40, s18;
	s14 =	sor.u32 $0x4000, s31;
	[tilespmem:s15+$0x1830 ss:$0x81] =	vst.msk $0xffff, v3  }
.LBB1_3:
0x34: {  	v3 =	vld [tilespmem:s18+$0x10];
	p1 =	sne.s32 s17, $0x1FC;
	[tilespmem:s15+$0x810 ss:$0x81] =	vst.msk $0xffff, v2;
	s19 =	smov.u32 s17;
	s17 =	sadd.s32 $0x4, s17  }
.Ltmp3:
0x35: {  	v2 =	vld [tilespmem:s18+$0xFFFFFFF0];
	[tilespmem:s15+$0x1020 ss:$0x81] =	vst.msk $0xffff, v0;
	(pc) =	sbr.rel @p1 .LBB1_3-.Ltmp3, $4  }
0x36: {  	v0 =	vld [tilespmem:s18+$0x0];
	[tilespmem:s15+$0x0 ss:$0x81] =	vst.msk $0xffff, v1  }
0x37: {  	s15 =	sshra.s32 s19, $0x2;
	v1 =	vld [tilespmem:s18+$0xFFFFFFE0]  }
0x38: {  	s15 =	sadd.s32 s15, s16  }
0x39: {  	s18 =	sadd.s32 $0x40, s18;
	[tilespmem:s15+$0x1830 ss:$0x81] =	vst.msk $0xffff, v3  }
.Ltmp4:
0x3a: {  	_ = 	snop;
	(pc) =	sbr.rel .LBB1_4-.Ltmp4, $1  }
0x3b: {  	_ =	sdelay $0x3  }
.LBB1_6:
0x3c: {  	_ =	sfence.sel $0x180000  }
0x3d: {  	s2 =	simm.s32 $0x1;
	[bflag:$0x0] =	sbarrier.arrive $0xFFFF  }
0x3e: {  	s31 =	simm.s32 $0x2;
	[sflag:s2] =	ssyncpa.u1 $0x1  }
0x3f: {  	[sflag:s31] =	ssyncpa.u1 $0x1  }
0x40: {  	p0 =	sne.s32 s0, $0x0;
	_ =	strace $0x9000004A  }
0x41: {  	s0 =	sadd.s32 @!p0 $0x100000, s1;
	[bflag:$0x2] =	sbarrier.arrive $0xFFFF  }
0x42: {  	[sflag:s0] =	ssyncadd.tile.s32 @!p0 $0x1;
	_ =	shalt  }
.Lfunc_end1:
_tile_overlayer_lowered:
.L_overlay_start_2:
0x43: {  	(tag) =	ssettag $0x2  }
0x44: {  	s0 =	rddreg [dreg:$0x0];
	s2 =	stileid.u32  }
0x45: {  	s1 =	rddreg [dreg:$0x1];
	p0 =	sne.s32 s2, $0x0  }
0x46: {  	s3 =	rddreg [dreg:$0x2];
	[bflag:$0x3] =	sbarrier.arrive $0xFFFF;
	s2 =	simm.s32 @!p0 $0x1C01  }
0x47: {  	[timem:s3], [sflag:s2] =	dma.local @!p0 [hbm:s0], s1  }
0x48: {  	s0 =	simm.s32 @!p0 $0x1  }
0x49: {  	_ =	swait.ge @!p0 [sflag:s0], s1  }
0x4a: {  	s1 =	ssub.s32 @!p0 $0x0, s1;
	[sflag:s0] =	ssyncset.done @!p0 $0x0  }
0x4b: {  	[sflag:s0] =	ssyncadd.s32 @!p0 s1  }
0x4c: {  	[bflag:$0x3] =	sbarrier.arrive $0xFFFF  }
0x4d: {  	_ =	shalt  }

</sc_bundles>
